<compile_context>
chip_gen: v7x
topology: tpu7x:2x2x1
jax: 0.10.2.dev20260603
libtpu: 0.0.44.dev20260713+nightly
codegen_flags: <defaults>
</compile_context>

<pallas_src>
import jax
import jax.numpy as jnp
from jax.experimental import pallas as pl
from jax.experimental.pallas import tpu as pltpu

_EPS = 1e-6
_B, _C, _H, _W = 2, 96, 224, 224
_O, _K, _KS = 96, 4, 3
_GA, _RA = 2, 2
_T = 8 + _GA + _RA
_SIGMA_BOOST = 2.0
_SIGMA_SCALE = 0.1
_SIZE = (96.0, 3.0, 3.0)
_RR = (20.0, 3.0, 3.0)
_MULT = (1.0, 288.0, 96.0)
_OK = _O * _K
_WPAD = 1024
_WS = 256
_HP = _H + 2
_NF = _H * _WS
_NB = 4096


def _wker_body(pm_ref, ps_ref, pv_ref, u_ref, sel_ref, out_ref):
    lane = jax.lax.broadcasted_iota(jnp.int32, (_OK, _T), 1)
    s = ps_ref[:, 0:1] + _SIGMA_BOOST
    softplus = jnp.maximum(s, 0.0) + jnp.log(1.0 + jnp.exp(-jnp.abs(s)))
    dsum = jnp.zeros((_OK, _T), jnp.float32)
    jidx = jnp.zeros((_OK, _T), jnp.float32)
    for d in range(3):
        size_d, rr_d = _SIZE[d], _RR[d]
        pm = pm_ref[:, d:d + 1]
        m = (1.0 / (1.0 + jnp.exp(-pm))) * (size_d - 1.0)
        sg = softplus * size_d * _SIGMA_SCALE + _EPS
        u = u_ref[:, d * _T:(d + 1) * _T]
        fl = ((7 - lane) >> (2 - d)) & 1
        nb = jnp.where(fl == 1, jnp.floor(m), jnp.ceil(m))
        gv = jnp.floor(u * size_d)
        lower = jnp.clip(jnp.round(m) - rr_d * 0.5, 0.0, size_d - rr_d)
        lv = jnp.floor(u * rr_d + lower)
        v = jnp.where(lane < 8, nb, jnp.where(lane < 10, gv, lv))
        v = jnp.clip(v, 0.0, size_d - 1.0)
        diff = (v - m) * jnp.sqrt(1.0 / (_EPS + sg))
        dsum = dsum + diff * diff
        jidx = jidx + v * _MULT[d]
    dens = jnp.exp(-0.5 * dsum)
    props = dens / (jnp.sum(dens, axis=1, keepdims=True) + _EPS)
    w = props * pv_ref[:, 0:1]
    idx = jidx.astype(jnp.int32)
    lanes2 = jax.lax.broadcasted_iota(jnp.int32, (_OK, _WPAD), 1)
    acc = jnp.zeros((_OK, _WPAD), jnp.float32)
    for t in range(_T):
        acc = acc + jnp.where(lanes2 == idx[:, t:t + 1], w[:, t:t + 1], 0.0)
    out_ref[...] = jnp.dot(sel_ref[...], acc,
                           preferred_element_type=jnp.float32)


_NI = _NF // _NB
_NS = _B * _NI
_NBH = _NB + 3 * _WS


def _conv_body(xf_hbm, wt_ref, b_ref, out_ref, xbuf, sem):
    b = pl.program_id(0)
    i = pl.program_id(1)
    s = b * _NI + i
    slot = jax.lax.rem(s, 2)

    def _start(step, slot_):
        bb = jax.lax.div(step, _NI)
        ii = jax.lax.rem(step, _NI)
        pltpu.make_async_copy(
            xf_hbm.at[bb, :, pl.ds(ii * _NB, _NBH)],
            xbuf.at[slot_], sem.at[slot_]).start()

    @pl.when(s == 0)
    def _():
        _start(s, slot)

    @pl.when(s + 1 < _NS)
    def _():
        _start(s + 1, 1 - slot)

    pltpu.make_async_copy(
        xf_hbm.at[0, :, pl.ds(0, _NBH)], xbuf.at[slot], sem.at[slot]).wait()

    parts = [xbuf[slot, :, pl.ds(dy * _WS + dx, _NB)]
             for dy in range(3) for dx in range(3)]
    xcat = jnp.concatenate(parts, axis=0)
    acc = jnp.dot(wt_ref[...], xcat, preferred_element_type=jnp.float32)
    out_ref[0] = acc + b_ref[:, 0:1]


def kernel(x, pmeans, psigmas, pvalues, bias):
    f32 = jnp.float32
    kg, kl = jax.random.split(jax.random.key(42))
    gu = jax.random.uniform(kg, (_O, _K, _GA, 3), dtype=f32) * (1.0 - _EPS)
    lu = jax.random.uniform(kl, (_O, _K, _RA, 3), dtype=f32) * (1.0 - _EPS)
    u = jnp.concatenate([jnp.zeros((_O, _K, 8, 3), f32), gu, lu], axis=2)
    upk = jnp.concatenate([u[..., d].reshape(_OK, _T) for d in range(3)],
                          axis=1)
    sel = (jnp.arange(_O)[:, None] == (jnp.arange(_OK)[None, :] // _K))
    sel = sel.astype(f32)

    wflat = pl.pallas_call(
        _wker_body,
        out_shape=jax.ShapeDtypeStruct((_O, _WPAD), f32),
    )(pmeans.reshape(_OK, 3), psigmas.reshape(_OK, 1),
      pvalues.reshape(_OK, 1), upk, sel)
    wt = wflat[:, :_KS * _KS * _C].astype(jnp.bfloat16)

    xp = jnp.pad(x, ((0, 0), (0, 0), (1, 3), (1, _WS - _W - 1)))
    xpf = xp.reshape(_B, _C, (_H + 4) * _WS).astype(jnp.bfloat16)

    out = pl.pallas_call(
        _conv_body,
        grid=(_B, _NI),
        in_specs=[
            pl.BlockSpec(memory_space=pl.MemorySpace.ANY),
            pl.BlockSpec((_O, _KS * _KS * _C), lambda b, i: (0, 0)),
            pl.BlockSpec((_O, 1), lambda b, i: (0, 0)),
        ],
        out_specs=pl.BlockSpec((1, _O, _NB), lambda b, i: (b, 0, i)),
        out_shape=jax.ShapeDtypeStruct((_B, _O, _NF), f32),
        scratch_shapes=[
            pltpu.VMEM((2, _C, _NBH), jnp.bfloat16),
            pltpu.SemaphoreType.DMA((2,)),
        ],
    )(xpf, wt, bias.reshape(_O, 1))
    return out.reshape(_B, _O, _H, _WS)[:, :, :, :_W]

# --- scband reference (transcript-rebuilt; emitter-appended) ---
"""Pipeline reference for scband-convolution-90340342104442 (READ-ONLY COPY).

The authoritative reference and input builder live on the scoring server;
editing this copy changes nothing except your own understanding.
"""

import jax, jax.numpy as jnp
import numpy as np
import itertools, math

EPS = 1e-06
SIGMA_BOOST = 2.0
B = 2
C, H, W = 96, 224, 224
O = 96
K = 4
KS = 3
GA = 2
RA = 2
RPROP = 0.2
MIN_SIGMA = 0.0
SIGMA_SCALE = 0.1
PAD = KS // 2
SIZE = (C, KS, KS)


def setup_inputs(seed: int = 0) -> dict:
    key = jax.random.key(seed)
    k1, k2, k3, k4, k5 = jax.random.split(key, 5)
    x = jax.random.normal(k1, (B, C, H, W), dtype=jnp.float32)
    pmeans = jax.random.normal(k2, (O, K, 3), dtype=jnp.float32)
    psigmas = jax.random.normal(k3, (O, K), dtype=jnp.float32)
    pvalues = jax.random.normal(k4, (O, K), dtype=jnp.float32)
    bias = jax.random.normal(k5, (O,), dtype=jnp.float32) * 0.01
    return {"x": x, "pmeans": pmeans, "psigmas": psigmas, "pvalues": pvalues, "bias": bias}


def _generate_ints(means):
    # means: [O, K, 3] transformed to lie in [0, size-1]
    fm = np.array(list(itertools.product([1, 0], repeat=3)), dtype=bool)  # [8, 3] floor mask
    mexp = means[:, :, None, :]  # [O, K, 1, 3]
    neigh = jnp.where(fm[None, None, :, :], jnp.floor(mexp), jnp.ceil(mexp))  # [O, K, 8, 3]
    key = jax.random.key(42)
    kg, kl = jax.random.split(key)
    rng = jnp.array(SIZE, dtype=jnp.float32)
    # global samples over full subtensor range
    gu = jax.random.uniform(kg, (O, K, GA, 3), dtype=jnp.float32) * (1.0 - EPS)
    gints = jnp.floor(gu * rng)
    # local samples in a relative range around the rounded means
    rr = jnp.array([max(1.0, math.ceil(RPROP * C)), float(KS), float(KS)], dtype=jnp.float32)
    lu = jax.random.uniform(kl, (O, K, RA, 3), dtype=jnp.float32) * (1.0 - EPS)
    mns = jnp.round(means)[:, :, None, :]
    lower = jnp.clip(mns - rr * 0.5, 0.0, rng - rr)
    lints = jnp.floor(lu * rr + lower)
    alli = jnp.concatenate([neigh, gints, lints], axis=2)  # [O, K, T, 3], T = 8 + GA + RA
    maxv = jnp.array([C - 1, KS - 1, KS - 1], dtype=jnp.float32)
    alli = jnp.clip(alli, 0.0, maxv)
    return alli.astype(jnp.int32)


def reference(x, pmeans, psigmas, pvalues, bias):
    size_f = jnp.array(SIZE, dtype=jnp.float32)
    # transform_means: sigmoid then scale to [0, size-1]
    means = jax.nn.sigmoid(pmeans) * (size_f - 1.0)  # [O, K, 3]
    # transform_sigmas: softplus(s + boost), expand to rank, scale by size, then sigma_scale
    sigmas = (jax.nn.softplus(psigmas + SIGMA_BOOST) + MIN_SIGMA)[..., None] * size_f  # [O, K, 3]
    sigmas = sigmas * SIGMA_SCALE + EPS
    # integer index tuples (no gradient through the discrete indices)
    ints = jax.lax.stop_gradient(_generate_ints(means))  # [O, K, T, 3]
    pts = ints.astype(jnp.float32)
    # densities of integer points under each MVN
    diff = (pts - means[:, :, None, :]) * jnp.sqrt(1.0 / (EPS + sigmas[:, :, None, :]))
    dens = jnp.exp(-0.5 * jnp.sum(diff * diff, axis=-1))  # [O, K, T]
    props = dens / (jnp.sum(dens, axis=2, keepdims=True) + EPS)
    weights = (props * pvalues[:, :, None]).reshape(O, -1)  # [O, K*T]
    ci = ints[..., 0].reshape(O, -1)
    ky = ints[..., 1].reshape(O, -1)
    kx = ints[..., 2].reshape(O, -1)
    oidx = jnp.broadcast_to(jnp.arange(O)[:, None], ci.shape)
    # scatter-add the sampled weighted connections into a dense conv kernel (templated sparse layer)
    Wker = jnp.zeros((O, C, KS, KS), dtype=jnp.float32).at[oidx, ci, ky, kx].add(weights)
    out = jax.lax.conv_general_dilated(
        x, Wker, window_strides=(1, 1), padding=((PAD, PAD), (PAD, PAD)),
        dimension_numbers=("NCHW", "OIHW", "NCHW"))
    return out + bias[None, :, None, None]

if __name__ == "__main__":
    import jax
    _d = setup_inputs()
    print(jax.jit(kernel)(*tuple(_d.values())))

</pallas_src>

<mosaic_0001>
module attributes {stable_mosaic.version = 14 : i64} {
  func.func @_wker_body(%arg0: memref<384x3xf32, #tpu.memory_space<vmem>>, %arg1: memref<384x1xf32, #tpu.memory_space<vmem>>, %arg2: memref<384x1xf32, #tpu.memory_space<vmem>>, %arg3: memref<384x36xf32, #tpu.memory_space<vmem>>, %arg4: memref<96x384xf32, #tpu.memory_space<vmem>>, %arg5: memref<96x1024xf32, #tpu.memory_space<vmem>>) attributes {dimension_semantics = [], scalar_prefetch = 0 : i64, scratch_operands = 0 : i64, tpu.core_type = #tpu.core_type<tc>} {
    %iota3A = tpu.iota {dimensions = array<i32: 1>} : vector<384x12xi32>
    %get3A = arith.constant 0 : index
    %get3A_0 = arith.constant 0 : index
    %get3A_1 = vector.load %arg1[%get3A, %get3A_0] : memref<384x1xf32, #tpu.memory_space<vmem>>, vector<384x1xf32>
    %add3A = arith.constant 2.000000e+00 : f32
    %add3A_2 = vector.broadcast %add3A : f32 to vector<384x1xf32>
    %add3A_3 = arith.addf %get3A_1, %add3A_2 : vector<384x1xf32>
    %max3A = arith.constant 0.000000e+00 : f32
    %max3A_4 = vector.broadcast %max3A : f32 to vector<384x1xf32>
    %max3A_5 = arith.maximumf %add3A_3, %max3A_4 : vector<384x1xf32>
    %abs3A = math.absf %add3A_3 : vector<384x1xf32>
    %neg3A = arith.constant 0.000000e+00 : f32
    %neg3A_6 = vector.broadcast %neg3A : f32 to vector<384x1xf32>
    %neg3A_7 = arith.subf %neg3A_6, %abs3A : vector<384x1xf32>
    %exp3A = math.exp %neg3A_7 : vector<384x1xf32>
    %add3A_8 = arith.constant 1.000000e+00 : f32
    %add3A_9 = vector.broadcast %add3A_8 : f32 to vector<384x1xf32>
    %add3A_10 = arith.addf %add3A_9, %exp3A : vector<384x1xf32>
    %log3A = math.log %add3A_10 : vector<384x1xf32>
    %add3A_11 = arith.addf %max3A_5, %log3A : vector<384x1xf32>
    %broadcast_in_dim3A = arith.constant 0.000000e+00 : f32
    %broadcast_in_dim3A_12 = vector.broadcast %broadcast_in_dim3A : f32 to vector<384x12xf32>
    %broadcast_in_dim3A_13 = arith.constant 0.000000e+00 : f32
    %broadcast_in_dim3A_14 = vector.broadcast %broadcast_in_dim3A_13 : f32 to vector<384x12xf32>
    %get3A_15 = arith.constant 0 : index
    %get3A_16 = arith.constant 0 : index
    %get3A_17 = vector.load %arg0[%get3A_15, %get3A_16] : memref<384x3xf32, #tpu.memory_space<vmem>>, vector<384x1xf32>
    %neg3A_18 = arith.constant 0.000000e+00 : f32
    %neg3A_19 = vector.broadcast %neg3A_18 : f32 to vector<384x1xf32>
    %neg3A_20 = arith.subf %neg3A_19, %get3A_17 : vector<384x1xf32>
    %exp3A_21 = math.exp %neg3A_20 : vector<384x1xf32>
    %add3A_22 = arith.constant 1.000000e+00 : f32
    %add3A_23 = vector.broadcast %add3A_22 : f32 to vector<384x1xf32>
    %add3A_24 = arith.addf %add3A_23, %exp3A_21 : vector<384x1xf32>
    %div3A = arith.constant 1.000000e+00 : f32
    %div3A_25 = vector.broadcast %div3A : f32 to vector<384x1xf32>
    %div3A_26 = arith.divf %div3A_25, %add3A_24 : vector<384x1xf32>
    %mul3A = arith.constant 9.500000e+01 : f32
    %mul3A_27 = vector.broadcast %mul3A : f32 to vector<384x1xf32>
    %mul3A_28 = arith.mulf %div3A_26, %mul3A_27 : vector<384x1xf32>
    %mul3A_29 = arith.constant 9.600000e+01 : f32
    %mul3A_30 = vector.broadcast %mul3A_29 : f32 to vector<384x1xf32>
    %mul3A_31 = arith.mulf %add3A_11, %mul3A_30 : vector<384x1xf32>
    %mul3A_32 = arith.constant 1.000000e-01 : f32
    %mul3A_33 = vector.broadcast %mul3A_32 : f32 to vector<384x1xf32>
    %mul3A_34 = arith.mulf %mul3A_31, %mul3A_33 : vector<384x1xf32>
    %add3A_35 = arith.constant 9.99999997E-7 : f32
    %add3A_36 = vector.broadcast %add3A_35 : f32 to vector<384x1xf32>
    %add3A_37 = arith.addf %mul3A_34, %add3A_36 : vector<384x1xf32>
    %get3A_38 = arith.constant 0 : index
    %get3A_39 = arith.constant 0 : index
    %get3A_40 = vector.load %arg3[%get3A_38, %get3A_39] : memref<384x36xf32, #tpu.memory_space<vmem>>, vector<384x12xf32>
    %sub3A = arith.constant 7 : i32
    %sub3A_41 = vector.broadcast %sub3A : i32 to vector<384x12xi32>
    %sub3A_42 = arith.subi %sub3A_41, %iota3A : vector<384x12xi32>
    %shift_right_arithmetic3A = arith.constant 2 : i32
    %shift_right_arithmetic3A_43 = vector.broadcast %shift_right_arithmetic3A : i32 to vector<384x12xi32>
    %shift_right_arithmetic3A_44 = arith.shrsi %sub3A_42, %shift_right_arithmetic3A_43 : vector<384x12xi32>
    %and3A = arith.constant 1 : i32
    %and3A_45 = vector.broadcast %and3A : i32 to vector<384x12xi32>
    %and3A_46 = arith.andi %shift_right_arithmetic3A_44, %and3A_45 : vector<384x12xi32>
    %eq3A = arith.constant 1 : i32
    %eq3A_47 = vector.broadcast %eq3A : i32 to vector<384x12xi32>
    %eq3A_48 = arith.cmpi eq, %and3A_46, %eq3A_47 : vector<384x12xi32>
    %floor3A = math.floor %mul3A_28 : vector<384x1xf32>
    %ceil3A = math.ceil %mul3A_28 : vector<384x1xf32>
    %broadcast_in_dim3A_49 = vector.shape_cast %floor3A : vector<384x1xf32> to vector<384x1xf32>
    %broadcast_in_dim3A_50 = vector.broadcast %broadcast_in_dim3A_49 : vector<384x1xf32> to vector<384x12xf32>
    %broadcast_in_dim3A_51 = vector.shape_cast %ceil3A : vector<384x1xf32> to vector<384x1xf32>
    %broadcast_in_dim3A_52 = vector.broadcast %broadcast_in_dim3A_51 : vector<384x1xf32> to vector<384x12xf32>
    %select_n3A = arith.select %eq3A_48, %broadcast_in_dim3A_50, %broadcast_in_dim3A_52 : vector<384x12xi1>, vector<384x12xf32>
    %mul3A_53 = arith.constant 9.600000e+01 : f32
    %mul3A_54 = vector.broadcast %mul3A_53 : f32 to vector<384x12xf32>
    %mul3A_55 = arith.mulf %get3A_40, %mul3A_54 : vector<384x12xf32>
    %floor3A_56 = math.floor %mul3A_55 : vector<384x12xf32>
    %round3A = math.roundeven %mul3A_28 : vector<384x1xf32>
    %sub3A_57 = arith.constant 1.000000e+01 : f32
    %sub3A_58 = vector.broadcast %sub3A_57 : f32 to vector<384x1xf32>
    %sub3A_59 = arith.subf %round3A, %sub3A_58 : vector<384x1xf32>
    %jit3A = arith.constant 0.000000e+00 : f32
    %jit3A_60 = arith.constant 7.600000e+01 : f32
    %max3A_61 = vector.broadcast %jit3A : f32 to vector<384x1xf32>
    %max3A_62 = arith.maximumf %max3A_61, %sub3A_59 : vector<384x1xf32>
    %min3A = vector.broadcast %jit3A_60 : f32 to vector<384x1xf32>
    %min3A_63 = arith.minimumf %min3A, %max3A_62 : vector<384x1xf32>
    %mul3A_64 = arith.constant 2.000000e+01 : f32
    %mul3A_65 = vector.broadcast %mul3A_64 : f32 to vector<384x12xf32>
    %mul3A_66 = arith.mulf %get3A_40, %mul3A_65 : vector<384x12xf32>
    %add3A_67 = vector.broadcast %min3A_63 : vector<384x1xf32> to vector<384x12xf32>
    %add3A_68 = arith.addf %mul3A_66, %add3A_67 : vector<384x12xf32>
    %floor3A_69 = math.floor %add3A_68 : vector<384x12xf32>
    %lt3A = arith.constant 8 : i32
    %lt3A_70 = vector.broadcast %lt3A : i32 to vector<384x12xi32>
    %lt3A_71 = arith.cmpi slt, %iota3A, %lt3A_70 : vector<384x12xi32>
    %lt3A_72 = arith.constant 10 : i32
    %lt3A_73 = vector.broadcast %lt3A_72 : i32 to vector<384x12xi32>
    %lt3A_74 = arith.cmpi slt, %iota3A, %lt3A_73 : vector<384x12xi32>
    %select_n3A_75 = arith.select %lt3A_74, %floor3A_56, %floor3A_69 : vector<384x12xi1>, vector<384x12xf32>
    %select_n3A_76 = arith.select %lt3A_71, %select_n3A, %select_n3A_75 : vector<384x12xi1>, vector<384x12xf32>
    %jit3A_77 = arith.constant 0.000000e+00 : f32
    %jit3A_78 = arith.constant 9.500000e+01 : f32
    %max3A_79 = vector.broadcast %jit3A_77 : f32 to vector<384x12xf32>
    %max3A_80 = arith.maximumf %max3A_79, %select_n3A_76 : vector<384x12xf32>
    %min3A_81 = vector.broadcast %jit3A_78 : f32 to vector<384x12xf32>
    %min3A_82 = arith.minimumf %min3A_81, %max3A_80 : vector<384x12xf32>
    %sub3A_83 = vector.broadcast %mul3A_28 : vector<384x1xf32> to vector<384x12xf32>
    %sub3A_84 = arith.subf %min3A_82, %sub3A_83 : vector<384x12xf32>
    %add3A_85 = arith.constant 9.99999997E-7 : f32
    %add3A_86 = vector.broadcast %add3A_85 : f32 to vector<384x1xf32>
    %add3A_87 = arith.addf %add3A_86, %add3A_37 : vector<384x1xf32>
    %div3A_88 = arith.constant 1.000000e+00 : f32
    %div3A_89 = vector.broadcast %div3A_88 : f32 to vector<384x1xf32>
    %div3A_90 = arith.divf %div3A_89, %add3A_87 : vector<384x1xf32>
    %sqrt3A = math.sqrt %div3A_90 : vector<384x1xf32>
    %mul3A_91 = vector.broadcast %sqrt3A : vector<384x1xf32> to vector<384x12xf32>
    %mul3A_92 = arith.mulf %sub3A_84, %mul3A_91 : vector<384x12xf32>
    %mul3A_93 = arith.mulf %mul3A_92, %mul3A_92 : vector<384x12xf32>
    %add3A_94 = arith.addf %broadcast_in_dim3A_12, %mul3A_93 : vector<384x12xf32>
    %mul3A_95 = arith.constant 1.000000e+00 : f32
    %mul3A_96 = vector.broadcast %mul3A_95 : f32 to vector<384x12xf32>
    %mul3A_97 = arith.mulf %min3A_82, %mul3A_96 : vector<384x12xf32>
    %add3A_98 = arith.addf %broadcast_in_dim3A_14, %mul3A_97 : vector<384x12xf32>
    %get3A_99 = arith.constant 0 : index
    %get3A_100 = arith.constant 1 : index
    %get3A_101 = vector.load %arg0[%get3A_99, %get3A_100] : memref<384x3xf32, #tpu.memory_space<vmem>>, vector<384x1xf32>
    %neg3A_102 = arith.constant 0.000000e+00 : f32
    %neg3A_103 = vector.broadcast %neg3A_102 : f32 to vector<384x1xf32>
    %neg3A_104 = arith.subf %neg3A_103, %get3A_101 : vector<384x1xf32>
    %exp3A_105 = math.exp %neg3A_104 : vector<384x1xf32>
    %add3A_106 = arith.constant 1.000000e+00 : f32
    %add3A_107 = vector.broadcast %add3A_106 : f32 to vector<384x1xf32>
    %add3A_108 = arith.addf %add3A_107, %exp3A_105 : vector<384x1xf32>
    %div3A_109 = arith.constant 1.000000e+00 : f32
    %div3A_110 = vector.broadcast %div3A_109 : f32 to vector<384x1xf32>
    %div3A_111 = arith.divf %div3A_110, %add3A_108 : vector<384x1xf32>
    %mul3A_112 = arith.constant 2.000000e+00 : f32
    %mul3A_113 = vector.broadcast %mul3A_112 : f32 to vector<384x1xf32>
    %mul3A_114 = arith.mulf %div3A_111, %mul3A_113 : vector<384x1xf32>
    %mul3A_115 = arith.constant 3.000000e+00 : f32
    %mul3A_116 = vector.broadcast %mul3A_115 : f32 to vector<384x1xf32>
    %mul3A_117 = arith.mulf %add3A_11, %mul3A_116 : vector<384x1xf32>
    %mul3A_118 = arith.constant 1.000000e-01 : f32
    %mul3A_119 = vector.broadcast %mul3A_118 : f32 to vector<384x1xf32>
    %mul3A_120 = arith.mulf %mul3A_117, %mul3A_119 : vector<384x1xf32>
    %add3A_121 = arith.constant 9.99999997E-7 : f32
    %add3A_122 = vector.broadcast %add3A_121 : f32 to vector<384x1xf32>
    %add3A_123 = arith.addf %mul3A_120, %add3A_122 : vector<384x1xf32>
    %get3A_124 = arith.constant 0 : index
    %get3A_125 = arith.constant 12 : index
    %get3A_126 = vector.load %arg3[%get3A_124, %get3A_125] : memref<384x36xf32, #tpu.memory_space<vmem>>, vector<384x12xf32>
    %sub3A_127 = arith.constant 7 : i32
    %sub3A_128 = vector.broadcast %sub3A_127 : i32 to vector<384x12xi32>
    %sub3A_129 = arith.subi %sub3A_128, %iota3A : vector<384x12xi32>
    %shift_right_arithmetic3A_130 = arith.constant 1 : i32
    %shift_right_arithmetic3A_131 = vector.broadcast %shift_right_arithmetic3A_130 : i32 to vector<384x12xi32>
    %shift_right_arithmetic3A_132 = arith.shrsi %sub3A_129, %shift_right_arithmetic3A_131 : vector<384x12xi32>
    %and3A_133 = arith.constant 1 : i32
    %and3A_134 = vector.broadcast %and3A_133 : i32 to vector<384x12xi32>
    %and3A_135 = arith.andi %shift_right_arithmetic3A_132, %and3A_134 : vector<384x12xi32>
    %eq3A_136 = arith.constant 1 : i32
    %eq3A_137 = vector.broadcast %eq3A_136 : i32 to vector<384x12xi32>
    %eq3A_138 = arith.cmpi eq, %and3A_135, %eq3A_137 : vector<384x12xi32>
    %floor3A_139 = math.floor %mul3A_114 : vector<384x1xf32>
    %ceil3A_140 = math.ceil %mul3A_114 : vector<384x1xf32>
    %broadcast_in_dim3A_141 = vector.shape_cast %floor3A_139 : vector<384x1xf32> to vector<384x1xf32>
    %broadcast_in_dim3A_142 = vector.broadcast %broadcast_in_dim3A_141 : vector<384x1xf32> to vector<384x12xf32>
    %broadcast_in_dim3A_143 = vector.shape_cast %ceil3A_140 : vector<384x1xf32> to vector<384x1xf32>
    %broadcast_in_dim3A_144 = vector.broadcast %broadcast_in_dim3A_143 : vector<384x1xf32> to vector<384x12xf32>
    %select_n3A_145 = arith.select %eq3A_138, %broadcast_in_dim3A_142, %broadcast_in_dim3A_144 : vector<384x12xi1>, vector<384x12xf32>
    %mul3A_146 = arith.constant 3.000000e+00 : f32
    %mul3A_147 = vector.broadcast %mul3A_146 : f32 to vector<384x12xf32>
    %mul3A_148 = arith.mulf %get3A_126, %mul3A_147 : vector<384x12xf32>
    %floor3A_149 = math.floor %mul3A_148 : vector<384x12xf32>
    %round3A_150 = math.roundeven %mul3A_114 : vector<384x1xf32>
    %sub3A_151 = arith.constant 1.500000e+00 : f32
    %sub3A_152 = vector.broadcast %sub3A_151 : f32 to vector<384x1xf32>
    %sub3A_153 = arith.subf %round3A_150, %sub3A_152 : vector<384x1xf32>
    %jit3A_154 = arith.constant 0.000000e+00 : f32
    %jit3A_155 = arith.constant 0.000000e+00 : f32
    %max3A_156 = vector.broadcast %jit3A_154 : f32 to vector<384x1xf32>
    %max3A_157 = arith.maximumf %max3A_156, %sub3A_153 : vector<384x1xf32>
    %min3A_158 = vector.broadcast %jit3A_155 : f32 to vector<384x1xf32>
    %min3A_159 = arith.minimumf %min3A_158, %max3A_157 : vector<384x1xf32>
    %mul3A_160 = arith.constant 3.000000e+00 : f32
    %mul3A_161 = vector.broadcast %mul3A_160 : f32 to vector<384x12xf32>
    %mul3A_162 = arith.mulf %get3A_126, %mul3A_161 : vector<384x12xf32>
    %add3A_163 = vector.broadcast %min3A_159 : vector<384x1xf32> to vector<384x12xf32>
    %add3A_164 = arith.addf %mul3A_162, %add3A_163 : vector<384x12xf32>
    %floor3A_165 = math.floor %add3A_164 : vector<384x12xf32>
    %lt3A_166 = arith.constant 8 : i32
    %lt3A_167 = vector.broadcast %lt3A_166 : i32 to vector<384x12xi32>
    %lt3A_168 = arith.cmpi slt, %iota3A, %lt3A_167 : vector<384x12xi32>
    %lt3A_169 = arith.constant 10 : i32
    %lt3A_170 = vector.broadcast %lt3A_169 : i32 to vector<384x12xi32>
    %lt3A_171 = arith.cmpi slt, %iota3A, %lt3A_170 : vector<384x12xi32>
    %select_n3A_172 = arith.select %lt3A_171, %floor3A_149, %floor3A_165 : vector<384x12xi1>, vector<384x12xf32>
    %select_n3A_173 = arith.select %lt3A_168, %select_n3A_145, %select_n3A_172 : vector<384x12xi1>, vector<384x12xf32>
    %jit3A_174 = arith.constant 0.000000e+00 : f32
    %jit3A_175 = arith.constant 2.000000e+00 : f32
    %max3A_176 = vector.broadcast %jit3A_174 : f32 to vector<384x12xf32>
    %max3A_177 = arith.maximumf %max3A_176, %select_n3A_173 : vector<384x12xf32>
    %min3A_178 = vector.broadcast %jit3A_175 : f32 to vector<384x12xf32>
    %min3A_179 = arith.minimumf %min3A_178, %max3A_177 : vector<384x12xf32>
    %sub3A_180 = vector.broadcast %mul3A_114 : vector<384x1xf32> to vector<384x12xf32>
    %sub3A_181 = arith.subf %min3A_179, %sub3A_180 : vector<384x12xf32>
    %add3A_182 = arith.constant 9.99999997E-7 : f32
    %add3A_183 = vector.broadcast %add3A_182 : f32 to vector<384x1xf32>
    %add3A_184 = arith.addf %add3A_183, %add3A_123 : vector<384x1xf32>
    %div3A_185 = arith.constant 1.000000e+00 : f32
    %div3A_186 = vector.broadcast %div3A_185 : f32 to vector<384x1xf32>
    %div3A_187 = arith.divf %div3A_186, %add3A_184 : vector<384x1xf32>
    %sqrt3A_188 = math.sqrt %div3A_187 : vector<384x1xf32>
    %mul3A_189 = vector.broadcast %sqrt3A_188 : vector<384x1xf32> to vector<384x12xf32>
    %mul3A_190 = arith.mulf %sub3A_181, %mul3A_189 : vector<384x12xf32>
    %mul3A_191 = arith.mulf %mul3A_190, %mul3A_190 : vector<384x12xf32>
    %add3A_192 = arith.addf %add3A_94, %mul3A_191 : vector<384x12xf32>
    %mul3A_193 = arith.constant 2.880000e+02 : f32
    %mul3A_194 = vector.broadcast %mul3A_193 : f32 to vector<384x12xf32>
    %mul3A_195 = arith.mulf %min3A_179, %mul3A_194 : vector<384x12xf32>
    %add3A_196 = arith.addf %add3A_98, %mul3A_195 : vector<384x12xf32>
    %get3A_197 = arith.constant 0 : index
    %get3A_198 = arith.constant 2 : index
    %get3A_199 = vector.load %arg0[%get3A_197, %get3A_198] : memref<384x3xf32, #tpu.memory_space<vmem>>, vector<384x1xf32>
    %neg3A_200 = arith.constant 0.000000e+00 : f32
    %neg3A_201 = vector.broadcast %neg3A_200 : f32 to vector<384x1xf32>
    %neg3A_202 = arith.subf %neg3A_201, %get3A_199 : vector<384x1xf32>
    %exp3A_203 = math.exp %neg3A_202 : vector<384x1xf32>
    %add3A_204 = arith.constant 1.000000e+00 : f32
    %add3A_205 = vector.broadcast %add3A_204 : f32 to vector<384x1xf32>
    %add3A_206 = arith.addf %add3A_205, %exp3A_203 : vector<384x1xf32>
    %div3A_207 = arith.constant 1.000000e+00 : f32
    %div3A_208 = vector.broadcast %div3A_207 : f32 to vector<384x1xf32>
    %div3A_209 = arith.divf %div3A_208, %add3A_206 : vector<384x1xf32>
    %mul3A_210 = arith.constant 2.000000e+00 : f32
    %mul3A_211 = vector.broadcast %mul3A_210 : f32 to vector<384x1xf32>
    %mul3A_212 = arith.mulf %div3A_209, %mul3A_211 : vector<384x1xf32>
    %mul3A_213 = arith.constant 3.000000e+00 : f32
    %mul3A_214 = vector.broadcast %mul3A_213 : f32 to vector<384x1xf32>
    %mul3A_215 = arith.mulf %add3A_11, %mul3A_214 : vector<384x1xf32>
    %mul3A_216 = arith.constant 1.000000e-01 : f32
    %mul3A_217 = vector.broadcast %mul3A_216 : f32 to vector<384x1xf32>
    %mul3A_218 = arith.mulf %mul3A_215, %mul3A_217 : vector<384x1xf32>
    %add3A_219 = arith.constant 9.99999997E-7 : f32
    %add3A_220 = vector.broadcast %add3A_219 : f32 to vector<384x1xf32>
    %add3A_221 = arith.addf %mul3A_218, %add3A_220 : vector<384x1xf32>
    %get3A_222 = arith.constant 0 : index
    %get3A_223 = arith.constant 24 : index
    %get3A_224 = vector.load %arg3[%get3A_222, %get3A_223] : memref<384x36xf32, #tpu.memory_space<vmem>>, vector<384x12xf32>
    %sub3A_225 = arith.constant 7 : i32
    %sub3A_226 = vector.broadcast %sub3A_225 : i32 to vector<384x12xi32>
    %sub3A_227 = arith.subi %sub3A_226, %iota3A : vector<384x12xi32>
    %shift_right_arithmetic3A_228 = arith.constant 0 : i32
    %shift_right_arithmetic3A_229 = vector.broadcast %shift_right_arithmetic3A_228 : i32 to vector<384x12xi32>
    %shift_right_arithmetic3A_230 = arith.shrsi %sub3A_227, %shift_right_arithmetic3A_229 : vector<384x12xi32>
    %and3A_231 = arith.constant 1 : i32
    %and3A_232 = vector.broadcast %and3A_231 : i32 to vector<384x12xi32>
    %and3A_233 = arith.andi %shift_right_arithmetic3A_230, %and3A_232 : vector<384x12xi32>
    %eq3A_234 = arith.constant 1 : i32
    %eq3A_235 = vector.broadcast %eq3A_234 : i32 to vector<384x12xi32>
    %eq3A_236 = arith.cmpi eq, %and3A_233, %eq3A_235 : vector<384x12xi32>
    %floor3A_237 = math.floor %mul3A_212 : vector<384x1xf32>
    %ceil3A_238 = math.ceil %mul3A_212 : vector<384x1xf32>
    %broadcast_in_dim3A_239 = vector.shape_cast %floor3A_237 : vector<384x1xf32> to vector<384x1xf32>
    %broadcast_in_dim3A_240 = vector.broadcast %broadcast_in_dim3A_239 : vector<384x1xf32> to vector<384x12xf32>
    %broadcast_in_dim3A_241 = vector.shape_cast %ceil3A_238 : vector<384x1xf32> to vector<384x1xf32>
    %broadcast_in_dim3A_242 = vector.broadcast %broadcast_in_dim3A_241 : vector<384x1xf32> to vector<384x12xf32>
    %select_n3A_243 = arith.select %eq3A_236, %broadcast_in_dim3A_240, %broadcast_in_dim3A_242 : vector<384x12xi1>, vector<384x12xf32>
    %mul3A_244 = arith.constant 3.000000e+00 : f32
    %mul3A_245 = vector.broadcast %mul3A_244 : f32 to vector<384x12xf32>
    %mul3A_246 = arith.mulf %get3A_224, %mul3A_245 : vector<384x12xf32>
    %floor3A_247 = math.floor %mul3A_246 : vector<384x12xf32>
    %round3A_248 = math.roundeven %mul3A_212 : vector<384x1xf32>
    %sub3A_249 = arith.constant 1.500000e+00 : f32
    %sub3A_250 = vector.broadcast %sub3A_249 : f32 to vector<384x1xf32>
    %sub3A_251 = arith.subf %round3A_248, %sub3A_250 : vector<384x1xf32>
    %jit3A_252 = arith.constant 0.000000e+00 : f32
    %jit3A_253 = arith.constant 0.000000e+00 : f32
    %max3A_254 = vector.broadcast %jit3A_252 : f32 to vector<384x1xf32>
    %max3A_255 = arith.maximumf %max3A_254, %sub3A_251 : vector<384x1xf32>
    %min3A_256 = vector.broadcast %jit3A_253 : f32 to vector<384x1xf32>
    %min3A_257 = arith.minimumf %min3A_256, %max3A_255 : vector<384x1xf32>
    %mul3A_258 = arith.constant 3.000000e+00 : f32
    %mul3A_259 = vector.broadcast %mul3A_258 : f32 to vector<384x12xf32>
    %mul3A_260 = arith.mulf %get3A_224, %mul3A_259 : vector<384x12xf32>
    %add3A_261 = vector.broadcast %min3A_257 : vector<384x1xf32> to vector<384x12xf32>
    %add3A_262 = arith.addf %mul3A_260, %add3A_261 : vector<384x12xf32>
    %floor3A_263 = math.floor %add3A_262 : vector<384x12xf32>
    %lt3A_264 = arith.constant 8 : i32
    %lt3A_265 = vector.broadcast %lt3A_264 : i32 to vector<384x12xi32>
    %lt3A_266 = arith.cmpi slt, %iota3A, %lt3A_265 : vector<384x12xi32>
    %lt3A_267 = arith.constant 10 : i32
    %lt3A_268 = vector.broadcast %lt3A_267 : i32 to vector<384x12xi32>
    %lt3A_269 = arith.cmpi slt, %iota3A, %lt3A_268 : vector<384x12xi32>
    %select_n3A_270 = arith.select %lt3A_269, %floor3A_247, %floor3A_263 : vector<384x12xi1>, vector<384x12xf32>
    %select_n3A_271 = arith.select %lt3A_266, %select_n3A_243, %select_n3A_270 : vector<384x12xi1>, vector<384x12xf32>
    %jit3A_272 = arith.constant 0.000000e+00 : f32
    %jit3A_273 = arith.constant 2.000000e+00 : f32
    %max3A_274 = vector.broadcast %jit3A_272 : f32 to vector<384x12xf32>
    %max3A_275 = arith.maximumf %max3A_274, %select_n3A_271 : vector<384x12xf32>
    %min3A_276 = vector.broadcast %jit3A_273 : f32 to vector<384x12xf32>
    %min3A_277 = arith.minimumf %min3A_276, %max3A_275 : vector<384x12xf32>
    %sub3A_278 = vector.broadcast %mul3A_212 : vector<384x1xf32> to vector<384x12xf32>
    %sub3A_279 = arith.subf %min3A_277, %sub3A_278 : vector<384x12xf32>
    %add3A_280 = arith.constant 9.99999997E-7 : f32
    %add3A_281 = vector.broadcast %add3A_280 : f32 to vector<384x1xf32>
    %add3A_282 = arith.addf %add3A_281, %add3A_221 : vector<384x1xf32>
    %div3A_283 = arith.constant 1.000000e+00 : f32
    %div3A_284 = vector.broadcast %div3A_283 : f32 to vector<384x1xf32>
    %div3A_285 = arith.divf %div3A_284, %add3A_282 : vector<384x1xf32>
    %sqrt3A_286 = math.sqrt %div3A_285 : vector<384x1xf32>
    %mul3A_287 = vector.broadcast %sqrt3A_286 : vector<384x1xf32> to vector<384x12xf32>
    %mul3A_288 = arith.mulf %sub3A_279, %mul3A_287 : vector<384x12xf32>
    %mul3A_289 = arith.mulf %mul3A_288, %mul3A_288 : vector<384x12xf32>
    %add3A_290 = arith.addf %add3A_192, %mul3A_289 : vector<384x12xf32>
    %mul3A_291 = arith.constant 9.600000e+01 : f32
    %mul3A_292 = vector.broadcast %mul3A_291 : f32 to vector<384x12xf32>
    %mul3A_293 = arith.mulf %min3A_277, %mul3A_292 : vector<384x12xf32>
    %add3A_294 = arith.addf %add3A_196, %mul3A_293 : vector<384x12xf32>
    %mul3A_295 = arith.constant -5.000000e-01 : f32
    %mul3A_296 = vector.broadcast %mul3A_295 : f32 to vector<384x12xf32>
    %mul3A_297 = arith.mulf %mul3A_296, %add3A_290 : vector<384x12xf32>
    %exp3A_298 = math.exp %mul3A_297 : vector<384x12xf32>
    %reduce_sum3A = arith.constant dense<0.000000e+00> : vector<384xf32>
    %reduce_sum3A_299 = vector.multi_reduction <add>, %exp3A_298, %reduce_sum3A [1] : vector<384x12xf32> to vector<384xf32>
    %broadcast_in_dim3A_300 = vector.shape_cast %reduce_sum3A_299 : vector<384xf32> to vector<384x1xf32>
    %add3A_301 = arith.constant 9.99999997E-7 : f32
    %add3A_302 = vector.broadcast %add3A_301 : f32 to vector<384x1xf32>
    %add3A_303 = arith.addf %broadcast_in_dim3A_300, %add3A_302 : vector<384x1xf32>
    %div3A_304 = vector.broadcast %add3A_303 : vector<384x1xf32> to vector<384x12xf32>
    %div3A_305 = arith.divf %exp3A_298, %div3A_304 : vector<384x12xf32>
    %get3A_306 = arith.constant 0 : index
    %get3A_307 = arith.constant 0 : index
    %get3A_308 = vector.load %arg2[%get3A_306, %get3A_307] : memref<384x1xf32, #tpu.memory_space<vmem>>, vector<384x1xf32>
    %mul3A_309 = vector.broadcast %get3A_308 : vector<384x1xf32> to vector<384x12xf32>
    %mul3A_310 = arith.mulf %div3A_305, %mul3A_309 : vector<384x12xf32>
    %convert_element_type3A = arith.fptosi %add3A_294 : vector<384x12xf32> to vector<384x12xi32>
    %iota3A_311 = tpu.iota {dimensions = array<i32: 1>} : vector<384x1024xi32>
    %broadcast_in_dim3A_312 = arith.constant 0.000000e+00 : f32
    %broadcast_in_dim3A_313 = vector.broadcast %broadcast_in_dim3A_312 : f32 to vector<384x1024xf32>
    %slice3A = vector.extract_strided_slice %convert_element_type3A {offsets = [0, 0], sizes = [384, 1], strides = [1, 1]} : vector<384x12xi32> to vector<384x1xi32>
    %eq3A_314 = vector.broadcast %slice3A : vector<384x1xi32> to vector<384x1024xi32>
    %eq3A_315 = arith.cmpi eq, %iota3A_311, %eq3A_314 : vector<384x1024xi32>
    %slice3A_316 = vector.extract_strided_slice %mul3A_310 {offsets = [0, 0], sizes = [384, 1], strides = [1, 1]} : vector<384x12xf32> to vector<384x1xf32>
    %jit3A_317 = arith.constant 0.000000e+00 : f32
    %broadcast_in_dim3A_318 = vector.shape_cast %slice3A_316 : vector<384x1xf32> to vector<384x1xf32>
    %broadcast_in_dim3A_319 = vector.broadcast %broadcast_in_dim3A_318 : vector<384x1xf32> to vector<384x1024xf32>
    %broadcast_in_dim3A_320 = vector.broadcast %jit3A_317 : f32 to vector<384x1024xf32>
    %select_n3A_321 = arith.select %eq3A_315, %broadcast_in_dim3A_319, %broadcast_in_dim3A_320 : vector<384x1024xi1>, vector<384x1024xf32>
    %add3A_322 = arith.addf %broadcast_in_dim3A_313, %select_n3A_321 : vector<384x1024xf32>
    %slice3A_323 = vector.extract_strided_slice %convert_element_type3A {offsets = [0, 1], sizes = [384, 1], strides = [1, 1]} : vector<384x12xi32> to vector<384x1xi32>
    %eq3A_324 = vector.broadcast %slice3A_323 : vector<384x1xi32> to vector<384x1024xi32>
    %eq3A_325 = arith.cmpi eq, %iota3A_311, %eq3A_324 : vector<384x1024xi32>
    %slice3A_326 = vector.extract_strided_slice %mul3A_310 {offsets = [0, 1], sizes = [384, 1], strides = [1, 1]} : vector<384x12xf32> to vector<384x1xf32>
    %jit3A_327 = arith.constant 0.000000e+00 : f32
    %broadcast_in_dim3A_328 = vector.shape_cast %slice3A_326 : vector<384x1xf32> to vector<384x1xf32>
    %broadcast_in_dim3A_329 = vector.broadcast %broadcast_in_dim3A_328 : vector<384x1xf32> to vector<384x1024xf32>
    %broadcast_in_dim3A_330 = vector.broadcast %jit3A_327 : f32 to vector<384x1024xf32>
    %select_n3A_331 = arith.select %eq3A_325, %broadcast_in_dim3A_329, %broadcast_in_dim3A_330 : vector<384x1024xi1>, vector<384x1024xf32>
    %add3A_332 = arith.addf %add3A_322, %select_n3A_331 : vector<384x1024xf32>
    %slice3A_333 = vector.extract_strided_slice %convert_element_type3A {offsets = [0, 2], sizes = [384, 1], strides = [1, 1]} : vector<384x12xi32> to vector<384x1xi32>
    %eq3A_334 = vector.broadcast %slice3A_333 : vector<384x1xi32> to vector<384x1024xi32>
    %eq3A_335 = arith.cmpi eq, %iota3A_311, %eq3A_334 : vector<384x1024xi32>
    %slice3A_336 = vector.extract_strided_slice %mul3A_310 {offsets = [0, 2], sizes = [384, 1], strides = [1, 1]} : vector<384x12xf32> to vector<384x1xf32>
    %jit3A_337 = arith.constant 0.000000e+00 : f32
    %broadcast_in_dim3A_338 = vector.shape_cast %slice3A_336 : vector<384x1xf32> to vector<384x1xf32>
    %broadcast_in_dim3A_339 = vector.broadcast %broadcast_in_dim3A_338 : vector<384x1xf32> to vector<384x1024xf32>
    %broadcast_in_dim3A_340 = vector.broadcast %jit3A_337 : f32 to vector<384x1024xf32>
    %select_n3A_341 = arith.select %eq3A_335, %broadcast_in_dim3A_339, %broadcast_in_dim3A_340 : vector<384x1024xi1>, vector<384x1024xf32>
    %add3A_342 = arith.addf %add3A_332, %select_n3A_341 : vector<384x1024xf32>
    %slice3A_343 = vector.extract_strided_slice %convert_element_type3A {offsets = [0, 3], sizes = [384, 1], strides = [1, 1]} : vector<384x12xi32> to vector<384x1xi32>
    %eq3A_344 = vector.broadcast %slice3A_343 : vector<384x1xi32> to vector<384x1024xi32>
    %eq3A_345 = arith.cmpi eq, %iota3A_311, %eq3A_344 : vector<384x1024xi32>
    %slice3A_346 = vector.extract_strided_slice %mul3A_310 {offsets = [0, 3], sizes = [384, 1], strides = [1, 1]} : vector<384x12xf32> to vector<384x1xf32>
    %jit3A_347 = arith.constant 0.000000e+00 : f32
    %broadcast_in_dim3A_348 = vector.shape_cast %slice3A_346 : vector<384x1xf32> to vector<384x1xf32>
    %broadcast_in_dim3A_349 = vector.broadcast %broadcast_in_dim3A_348 : vector<384x1xf32> to vector<384x1024xf32>
    %broadcast_in_dim3A_350 = vector.broadcast %jit3A_347 : f32 to vector<384x1024xf32>
    %select_n3A_351 = arith.select %eq3A_345, %broadcast_in_dim3A_349, %broadcast_in_dim3A_350 : vector<384x1024xi1>, vector<384x1024xf32>
    %add3A_352 = arith.addf %add3A_342, %select_n3A_351 : vector<384x1024xf32>
    %slice3A_353 = vector.extract_strided_slice %convert_element_type3A {offsets = [0, 4], sizes = [384, 1], strides = [1, 1]} : vector<384x12xi32> to vector<384x1xi32>
    %eq3A_354 = vector.broadcast %slice3A_353 : vector<384x1xi32> to vector<384x1024xi32>
    %eq3A_355 = arith.cmpi eq, %iota3A_311, %eq3A_354 : vector<384x1024xi32>
    %slice3A_356 = vector.extract_strided_slice %mul3A_310 {offsets = [0, 4], sizes = [384, 1], strides = [1, 1]} : vector<384x12xf32> to vector<384x1xf32>
    %jit3A_357 = arith.constant 0.000000e+00 : f32
    %broadcast_in_dim3A_358 = vector.shape_cast %slice3A_356 : vector<384x1xf32> to vector<384x1xf32>
    %broadcast_in_dim3A_359 = vector.broadcast %broadcast_in_dim3A_358 : vector<384x1xf32> to vector<384x1024xf32>
    %broadcast_in_dim3A_360 = vector.broadcast %jit3A_357 : f32 to vector<384x1024xf32>
    %select_n3A_361 = arith.select %eq3A_355, %broadcast_in_dim3A_359, %broadcast_in_dim3A_360 : vector<384x1024xi1>, vector<384x1024xf32>
    %add3A_362 = arith.addf %add3A_352, %select_n3A_361 : vector<384x1024xf32>
    %slice3A_363 = vector.extract_strided_slice %convert_element_type3A {offsets = [0, 5], sizes = [384, 1], strides = [1, 1]} : vector<384x12xi32> to vector<384x1xi32>
    %eq3A_364 = vector.broadcast %slice3A_363 : vector<384x1xi32> to vector<384x1024xi32>
    %eq3A_365 = arith.cmpi eq, %iota3A_311, %eq3A_364 : vector<384x1024xi32>
    %slice3A_366 = vector.extract_strided_slice %mul3A_310 {offsets = [0, 5], sizes = [384, 1], strides = [1, 1]} : vector<384x12xf32> to vector<384x1xf32>
    %jit3A_367 = arith.constant 0.000000e+00 : f32
    %broadcast_in_dim3A_368 = vector.shape_cast %slice3A_366 : vector<384x1xf32> to vector<384x1xf32>
    %broadcast_in_dim3A_369 = vector.broadcast %broadcast_in_dim3A_368 : vector<384x1xf32> to vector<384x1024xf32>
    %broadcast_in_dim3A_370 = vector.broadcast %jit3A_367 : f32 to vector<384x1024xf32>
    %select_n3A_371 = arith.select %eq3A_365, %broadcast_in_dim3A_369, %broadcast_in_dim3A_370 : vector<384x1024xi1>, vector<384x1024xf32>
    %add3A_372 = arith.addf %add3A_362, %select_n3A_371 : vector<384x1024xf32>
    %slice3A_373 = vector.extract_strided_slice %convert_element_type3A {offsets = [0, 6], sizes = [384, 1], strides = [1, 1]} : vector<384x12xi32> to vector<384x1xi32>
    %eq3A_374 = vector.broadcast %slice3A_373 : vector<384x1xi32> to vector<384x1024xi32>
    %eq3A_375 = arith.cmpi eq, %iota3A_311, %eq3A_374 : vector<384x1024xi32>
    %slice3A_376 = vector.extract_strided_slice %mul3A_310 {offsets = [0, 6], sizes = [384, 1], strides = [1, 1]} : vector<384x12xf32> to vector<384x1xf32>
    %jit3A_377 = arith.constant 0.000000e+00 : f32
    %broadcast_in_dim3A_378 = vector.shape_cast %slice3A_376 : vector<384x1xf32> to vector<384x1xf32>
    %broadcast_in_dim3A_379 = vector.broadcast %broadcast_in_dim3A_378 : vector<384x1xf32> to vector<384x1024xf32>
    %broadcast_in_dim3A_380 = vector.broadcast %jit3A_377 : f32 to vector<384x1024xf32>
    %select_n3A_381 = arith.select %eq3A_375, %broadcast_in_dim3A_379, %broadcast_in_dim3A_380 : vector<384x1024xi1>, vector<384x1024xf32>
    %add3A_382 = arith.addf %add3A_372, %select_n3A_381 : vector<384x1024xf32>
    %slice3A_383 = vector.extract_strided_slice %convert_element_type3A {offsets = [0, 7], sizes = [384, 1], strides = [1, 1]} : vector<384x12xi32> to vector<384x1xi32>
    %eq3A_384 = vector.broadcast %slice3A_383 : vector<384x1xi32> to vector<384x1024xi32>
    %eq3A_385 = arith.cmpi eq, %iota3A_311, %eq3A_384 : vector<384x1024xi32>
    %slice3A_386 = vector.extract_strided_slice %mul3A_310 {offsets = [0, 7], sizes = [384, 1], strides = [1, 1]} : vector<384x12xf32> to vector<384x1xf32>
    %jit3A_387 = arith.constant 0.000000e+00 : f32
    %broadcast_in_dim3A_388 = vector.shape_cast %slice3A_386 : vector<384x1xf32> to vector<384x1xf32>
    %broadcast_in_dim3A_389 = vector.broadcast %broadcast_in_dim3A_388 : vector<384x1xf32> to vector<384x1024xf32>
    %broadcast_in_dim3A_390 = vector.broadcast %jit3A_387 : f32 to vector<384x1024xf32>
    %select_n3A_391 = arith.select %eq3A_385, %broadcast_in_dim3A_389, %broadcast_in_dim3A_390 : vector<384x1024xi1>, vector<384x1024xf32>
    %add3A_392 = arith.addf %add3A_382, %select_n3A_391 : vector<384x1024xf32>
    %slice3A_393 = vector.extract_strided_slice %convert_element_type3A {offsets = [0, 8], sizes = [384, 1], strides = [1, 1]} : vector<384x12xi32> to vector<384x1xi32>
    %eq3A_394 = vector.broadcast %slice3A_393 : vector<384x1xi32> to vector<384x1024xi32>
    %eq3A_395 = arith.cmpi eq, %iota3A_311, %eq3A_394 : vector<384x1024xi32>
    %slice3A_396 = vector.extract_strided_slice %mul3A_310 {offsets = [0, 8], sizes = [384, 1], strides = [1, 1]} : vector<384x12xf32> to vector<384x1xf32>
    %jit3A_397 = arith.constant 0.000000e+00 : f32
    %broadcast_in_dim3A_398 = vector.shape_cast %slice3A_396 : vector<384x1xf32> to vector<384x1xf32>
    %broadcast_in_dim3A_399 = vector.broadcast %broadcast_in_dim3A_398 : vector<384x1xf32> to vector<384x1024xf32>
    %broadcast_in_dim3A_400 = vector.broadcast %jit3A_397 : f32 to vector<384x1024xf32>
    %select_n3A_401 = arith.select %eq3A_395, %broadcast_in_dim3A_399, %broadcast_in_dim3A_400 : vector<384x1024xi1>, vector<384x1024xf32>
    %add3A_402 = arith.addf %add3A_392, %select_n3A_401 : vector<384x1024xf32>
    %slice3A_403 = vector.extract_strided_slice %convert_element_type3A {offsets = [0, 9], sizes = [384, 1], strides = [1, 1]} : vector<384x12xi32> to vector<384x1xi32>
    %eq3A_404 = vector.broadcast %slice3A_403 : vector<384x1xi32> to vector<384x1024xi32>
    %eq3A_405 = arith.cmpi eq, %iota3A_311, %eq3A_404 : vector<384x1024xi32>
    %slice3A_406 = vector.extract_strided_slice %mul3A_310 {offsets = [0, 9], sizes = [384, 1], strides = [1, 1]} : vector<384x12xf32> to vector<384x1xf32>
    %jit3A_407 = arith.constant 0.000000e+00 : f32
    %broadcast_in_dim3A_408 = vector.shape_cast %slice3A_406 : vector<384x1xf32> to vector<384x1xf32>
    %broadcast_in_dim3A_409 = vector.broadcast %broadcast_in_dim3A_408 : vector<384x1xf32> to vector<384x1024xf32>
    %broadcast_in_dim3A_410 = vector.broadcast %jit3A_407 : f32 to vector<384x1024xf32>
    %select_n3A_411 = arith.select %eq3A_405, %broadcast_in_dim3A_409, %broadcast_in_dim3A_410 : vector<384x1024xi1>, vector<384x1024xf32>
    %add3A_412 = arith.addf %add3A_402, %select_n3A_411 : vector<384x1024xf32>
    %slice3A_413 = vector.extract_strided_slice %convert_element_type3A {offsets = [0, 10], sizes = [384, 1], strides = [1, 1]} : vector<384x12xi32> to vector<384x1xi32>
    %eq3A_414 = vector.broadcast %slice3A_413 : vector<384x1xi32> to vector<384x1024xi32>
    %eq3A_415 = arith.cmpi eq, %iota3A_311, %eq3A_414 : vector<384x1024xi32>
    %slice3A_416 = vector.extract_strided_slice %mul3A_310 {offsets = [0, 10], sizes = [384, 1], strides = [1, 1]} : vector<384x12xf32> to vector<384x1xf32>
    %jit3A_417 = arith.constant 0.000000e+00 : f32
    %broadcast_in_dim3A_418 = vector.shape_cast %slice3A_416 : vector<384x1xf32> to vector<384x1xf32>
    %broadcast_in_dim3A_419 = vector.broadcast %broadcast_in_dim3A_418 : vector<384x1xf32> to vector<384x1024xf32>
    %broadcast_in_dim3A_420 = vector.broadcast %jit3A_417 : f32 to vector<384x1024xf32>
    %select_n3A_421 = arith.select %eq3A_415, %broadcast_in_dim3A_419, %broadcast_in_dim3A_420 : vector<384x1024xi1>, vector<384x1024xf32>
    %add3A_422 = arith.addf %add3A_412, %select_n3A_421 : vector<384x1024xf32>
    %slice3A_423 = vector.extract_strided_slice %convert_element_type3A {offsets = [0, 11], sizes = [384, 1], strides = [1, 1]} : vector<384x12xi32> to vector<384x1xi32>
    %eq3A_424 = vector.broadcast %slice3A_423 : vector<384x1xi32> to vector<384x1024xi32>
    %eq3A_425 = arith.cmpi eq, %iota3A_311, %eq3A_424 : vector<384x1024xi32>
    %slice3A_426 = vector.extract_strided_slice %mul3A_310 {offsets = [0, 11], sizes = [384, 1], strides = [1, 1]} : vector<384x12xf32> to vector<384x1xf32>
    %jit3A_427 = arith.constant 0.000000e+00 : f32
    %broadcast_in_dim3A_428 = vector.shape_cast %slice3A_426 : vector<384x1xf32> to vector<384x1xf32>
    %broadcast_in_dim3A_429 = vector.broadcast %broadcast_in_dim3A_428 : vector<384x1xf32> to vector<384x1024xf32>
    %broadcast_in_dim3A_430 = vector.broadcast %jit3A_427 : f32 to vector<384x1024xf32>
    %select_n3A_431 = arith.select %eq3A_425, %broadcast_in_dim3A_429, %broadcast_in_dim3A_430 : vector<384x1024xi1>, vector<384x1024xf32>
    %add3A_432 = arith.addf %add3A_422, %select_n3A_431 : vector<384x1024xf32>
    %get3A_433 = arith.constant 0 : index
    %get3A_434 = arith.constant 0 : index
    %get3A_435 = vector.load %arg4[%get3A_433, %get3A_434] : memref<96x384xf32, #tpu.memory_space<vmem>>, vector<96x384xf32>
    %dot_general3A = arith.constant dense<0.000000e+00> : vector<96x1024xf32>
    %dot_general3A_436 = tpu.matmul %get3A_435, %add3A_432, %dot_general3A {dimension_numbers = #tpu.dot_dimension_numbers<[1], [0], [0], [1], [0, 0, 1, 1], [], []>, transpose_lhs_hint = false} : vector<96x384xf32>, vector<384x1024xf32>, vector<96x1024xf32> -> vector<96x1024xf32>
    %swap3A = arith.constant 0 : index
    %swap3A_437 = arith.constant 0 : index
    %swap3A_438 = vector.load %arg5[%swap3A, %swap3A_437] : memref<96x1024xf32, #tpu.memory_space<vmem>>, vector<96x1024xf32>
    tpu.vector_store %arg5[%swap3A, %swap3A_437], %dot_general3A_436 {strides = array<i32>} : memref<96x1024xf32, #tpu.memory_space<vmem>>, vector<96x1024xf32>,
    return
  }
}

module attributes {stable_mosaic.version = 14 : i64} {
  func.func @_conv_body(%arg0: i32, %arg1: i32, %arg2: memref<2x96x58368xbf16, #tpu.memory_space<any>>, %arg3: memref<96x864xbf16, #tpu.memory_space<vmem>>, %arg4: memref<96x1xf32, #tpu.memory_space<vmem>>, %arg5: memref<1x96x4096xf32, #tpu.memory_space<vmem>>, %arg6: memref<2x96x4864xbf16, #tpu.memory_space<vmem>>, %arg7: memref<2x!tpu.dma_semaphore, #tpu.memory_space<semaphore_mem>>) attributes {dimension_semantics = [#tpu.dimension_semantics<arbitrary>, #tpu.dimension_semantics<arbitrary>], iteration_bounds = array<i64: 2, 14>, scalar_prefetch = 0 : i64, scratch_operands = 2 : i64, tpu.core_type = #tpu.core_type<tc>, window_params = [{}, {pipeline_mode = #tpu.pipeline_mode<synchronous>, transform_indices = @transform_1, window_bounds = array<i64: 96, 864>}, {pipeline_mode = #tpu.pipeline_mode<synchronous>, transform_indices = @transform_2, window_bounds = array<i64: 96, 1>}, {transform_indices = @transform_3, window_bounds = array<i64: 1, 96, 4096>}]} {
    %mul3A = arith.constant 14 : i32
    %mul3A_0 = arith.muli %arg0, %mul3A : i32
    %add3A = arith.addi %mul3A_0, %arg1 : i32
    %rem3A = arith.constant 2 : i32
    %rem3A_1 = arith.remsi %add3A, %rem3A : i32
    %eq3A = arith.constant 0 : i32
    %eq3A_2 = arith.cmpi eq, %add3A, %eq3A : i32
    %convert_element_type3A = arith.extui %eq3A_2 : i1 to i32
    %cond3A = arith.constant 0 : i32
    %cond3A_3 = arith.cmpi ne, %convert_element_type3A, %cond3A : i32
    scf.if %cond3A_3 {
      %div3A = arith.constant 14 : i32
      %div3A_78 = arith.divsi %add3A, %div3A : i32
      %rem3A_79 = arith.constant 14 : i32
      %rem3A_80 = arith.remsi %add3A, %rem3A_79 : i32
      %mul3A_81 = arith.constant 4096 : i32
      %mul3A_82 = arith.muli %rem3A_80, %mul3A_81 : i32
      %dma_start3A = tpu.memref_slice %arg7[%rem3A_1] : memref<2x!tpu.dma_semaphore, #tpu.memory_space<semaphore_mem>> -> memref<1x!tpu.dma_semaphore, #tpu.memory_space<semaphore_mem>>
      %dma_start3A_83 = tpu.memref_squeeze %dma_start3A : memref<1x!tpu.dma_semaphore, #tpu.memory_space<semaphore_mem>> -> memref<!tpu.dma_semaphore, #tpu.memory_space<semaphore_mem>>
      %dma_start3A_84 = arith.constant 0 : i32
      %dma_start3A_85 = arith.constant 0 : i32
      %dma_start3A_86 = tpu.memref_slice %arg6[%rem3A_1, %dma_start3A_84, %dma_start3A_85] : memref<2x96x4864xbf16, #tpu.memory_space<vmem>> -> memref<1x96x4864xbf16, #tpu.memory_space<vmem>>
      %dma_start3A_87 = tpu.memref_squeeze %dma_start3A_86 : memref<1x96x4864xbf16, #tpu.memory_space<vmem>> -> memref<96x4864xbf16, #tpu.memory_space<vmem>>
      %dma_start3A_88 = arith.constant 0 : i32
      %dma_start3A_89 = tpu.memref_slice %arg2[%div3A_78, %dma_start3A_88, %mul3A_82] : memref<2x96x58368xbf16, #tpu.memory_space<any>> -> memref<1x96x4864xbf16, #tpu.memory_space<any>>
      %dma_start3A_90 = tpu.memref_squeeze %dma_start3A_89 : memref<1x96x4864xbf16, #tpu.memory_space<any>> -> memref<96x4864xbf16, #tpu.memory_space<any>>
      tpu.enqueue_dma source(%dma_start3A_90 : memref<96x4864xbf16, #tpu.memory_space<any>>) target(%dma_start3A_87 : memref<96x4864xbf16, #tpu.memory_space<vmem>>) target_semaphore(%dma_start3A_83 : memref<!tpu.dma_semaphore, #tpu.memory_space<semaphore_mem>>)
    } else {
    }
    %add3A_4 = arith.constant 1 : i32
    %add3A_5 = arith.addi %add3A, %add3A_4 : i32
    %lt3A = arith.constant 28 : i32
    %lt3A_6 = arith.cmpi slt, %add3A_5, %lt3A : i32
    %convert_element_type3A_7 = arith.extui %lt3A_6 : i1 to i32
    %cond3A_8 = arith.constant 0 : i32
    %cond3A_9 = arith.cmpi ne, %convert_element_type3A_7, %cond3A_8 : i32
    scf.if %cond3A_9 {
      %add3A_78 = arith.constant 1 : i32
      %add3A_79 = arith.addi %add3A, %add3A_78 : i32
      %sub3A = arith.constant 1 : i32
      %sub3A_80 = arith.subi %sub3A, %rem3A_1 : i32
      %div3A = arith.constant 14 : i32
      %div3A_81 = arith.divsi %add3A_79, %div3A : i32
      %rem3A_82 = arith.constant 14 : i32
      %rem3A_83 = arith.remsi %add3A_79, %rem3A_82 : i32
      %mul3A_84 = arith.constant 4096 : i32
      %mul3A_85 = arith.muli %rem3A_83, %mul3A_84 : i32
      %dma_start3A = tpu.memref_slice %arg7[%sub3A_80] : memref<2x!tpu.dma_semaphore, #tpu.memory_space<semaphore_mem>> -> memref<1x!tpu.dma_semaphore, #tpu.memory_space<semaphore_mem>>
      %dma_start3A_86 = tpu.memref_squeeze %dma_start3A : memref<1x!tpu.dma_semaphore, #tpu.memory_space<semaphore_mem>> -> memref<!tpu.dma_semaphore, #tpu.memory_space<semaphore_mem>>
      %dma_start3A_87 = arith.constant 0 : i32
      %dma_start3A_88 = arith.constant 0 : i32
      %dma_start3A_89 = tpu.memref_slice %arg6[%sub3A_80, %dma_start3A_87, %dma_start3A_88] : memref<2x96x4864xbf16, #tpu.memory_space<vmem>> -> memref<1x96x4864xbf16, #tpu.memory_space<vmem>>
      %dma_start3A_90 = tpu.memref_squeeze %dma_start3A_89 : memref<1x96x4864xbf16, #tpu.memory_space<vmem>> -> memref<96x4864xbf16, #tpu.memory_space<vmem>>
      %dma_start3A_91 = arith.constant 0 : i32
      %dma_start3A_92 = tpu.memref_slice %arg2[%div3A_81, %dma_start3A_91, %mul3A_85] : memref<2x96x58368xbf16, #tpu.memory_space<any>> -> memref<1x96x4864xbf16, #tpu.memory_space<any>>
      %dma_start3A_93 = tpu.memref_squeeze %dma_start3A_92 : memref<1x96x4864xbf16, #tpu.memory_space<any>> -> memref<96x4864xbf16, #tpu.memory_space<any>>
      tpu.enqueue_dma source(%dma_start3A_93 : memref<96x4864xbf16, #tpu.memory_space<any>>) target(%dma_start3A_90 : memref<96x4864xbf16, #tpu.memory_space<vmem>>) target_semaphore(%dma_start3A_86 : memref<!tpu.dma_semaphore, #tpu.memory_space<semaphore_mem>>)
    } else {
    }
    %dma_wait3A = arith.constant 0 : i32
    %dma_wait3A_10 = tpu.memref_slice %arg7[%rem3A_1] : memref<2x!tpu.dma_semaphore, #tpu.memory_space<semaphore_mem>> -> memref<1x!tpu.dma_semaphore, #tpu.memory_space<semaphore_mem>>
    %dma_wait3A_11 = tpu.memref_squeeze %dma_wait3A_10 : memref<1x!tpu.dma_semaphore, #tpu.memory_space<semaphore_mem>> -> memref<!tpu.dma_semaphore, #tpu.memory_space<semaphore_mem>>
    %dma_wait3A_12 = arith.constant 0 : i32
    %dma_wait3A_13 = arith.constant 0 : i32
    %dma_wait3A_14 = tpu.memref_slice %arg6[%rem3A_1, %dma_wait3A_12, %dma_wait3A_13] : memref<2x96x4864xbf16, #tpu.memory_space<vmem>> -> memref<1x96x4864xbf16, #tpu.memory_space<vmem>>
    %dma_wait3A_15 = tpu.memref_squeeze %dma_wait3A_14 : memref<1x96x4864xbf16, #tpu.memory_space<vmem>> -> memref<96x4864xbf16, #tpu.memory_space<vmem>>
    %dma_wait3A_16 = arith.constant 0 : i32
    %dma_wait3A_17 = arith.constant 0 : i32
    %dma_wait3A_18 = tpu.memref_slice %arg2[%dma_wait3A, %dma_wait3A_16, %dma_wait3A_17] : memref<2x96x58368xbf16, #tpu.memory_space<any>> -> memref<1x96x4864xbf16, #tpu.memory_space<any>>
    %dma_wait3A_19 = tpu.memref_squeeze %dma_wait3A_18 : memref<1x96x4864xbf16, #tpu.memory_space<any>> -> memref<96x4864xbf16, #tpu.memory_space<any>>
    tpu.wait_dma2 semaphore(%dma_wait3A_11 : memref<!tpu.dma_semaphore, #tpu.memory_space<semaphore_mem>>) src(%dma_wait3A_19 : memref<96x4864xbf16, #tpu.memory_space<any>>) dst(%dma_wait3A_15 : memref<96x4864xbf16, #tpu.memory_space<vmem>>)
    %get3A = arith.index_cast %rem3A_1 : i32 to index
    %get3A_20 = arith.constant 0 : index
    %get3A_21 = arith.constant 0 : index
    %get3A_22 = vector.load %arg6[%get3A, %get3A_20, %get3A_21] : memref<2x96x4864xbf16, #tpu.memory_space<vmem>>, vector<1x96x4096xbf16>
    %get3A_23 = vector.shape_cast %get3A_22 : vector<1x96x4096xbf16> to vector<96x4096xbf16>
    %get3A_24 = arith.index_cast %rem3A_1 : i32 to index
    %get3A_25 = arith.constant 0 : index
    %get3A_26 = arith.constant 1 : index
    %get3A_27 = vector.load %arg6[%get3A_24, %get3A_25, %get3A_26] : memref<2x96x4864xbf16, #tpu.memory_space<vmem>>, vector<1x96x4096xbf16>
    %get3A_28 = vector.shape_cast %get3A_27 : vector<1x96x4096xbf16> to vector<96x4096xbf16>
    %get3A_29 = arith.index_cast %rem3A_1 : i32 to index
    %get3A_30 = arith.constant 0 : index
    %get3A_31 = arith.constant 2 : index
    %get3A_32 = vector.load %arg6[%get3A_29, %get3A_30, %get3A_31] : memref<2x96x4864xbf16, #tpu.memory_space<vmem>>, vector<1x96x4096xbf16>
    %get3A_33 = vector.shape_cast %get3A_32 : vector<1x96x4096xbf16> to vector<96x4096xbf16>
    %get3A_34 = arith.index_cast %rem3A_1 : i32 to index
    %get3A_35 = arith.constant 0 : index
    %get3A_36 = arith.constant 256 : index
    %get3A_37 = vector.load %arg6[%get3A_34, %get3A_35, %get3A_36] : memref<2x96x4864xbf16, #tpu.memory_space<vmem>>, vector<1x96x4096xbf16>
    %get3A_38 = vector.shape_cast %get3A_37 : vector<1x96x4096xbf16> to vector<96x4096xbf16>
    %get3A_39 = arith.index_cast %rem3A_1 : i32 to index
    %get3A_40 = arith.constant 0 : index
    %get3A_41 = arith.constant 257 : index
    %get3A_42 = vector.load %arg6[%get3A_39, %get3A_40, %get3A_41] : memref<2x96x4864xbf16, #tpu.memory_space<vmem>>, vector<1x96x4096xbf16>
    %get3A_43 = vector.shape_cast %get3A_42 : vector<1x96x4096xbf16> to vector<96x4096xbf16>
    %get3A_44 = arith.index_cast %rem3A_1 : i32 to index
    %get3A_45 = arith.constant 0 : index
    %get3A_46 = arith.constant 258 : index
    %get3A_47 = vector.load %arg6[%get3A_44, %get3A_45, %get3A_46] : memref<2x96x4864xbf16, #tpu.memory_space<vmem>>, vector<1x96x4096xbf16>
    %get3A_48 = vector.shape_cast %get3A_47 : vector<1x96x4096xbf16> to vector<96x4096xbf16>
    %get3A_49 = arith.index_cast %rem3A_1 : i32 to index
    %get3A_50 = arith.constant 0 : index
    %get3A_51 = arith.constant 512 : index
    %get3A_52 = vector.load %arg6[%get3A_49, %get3A_50, %get3A_51] : memref<2x96x4864xbf16, #tpu.memory_space<vmem>>, vector<1x96x4096xbf16>
    %get3A_53 = vector.shape_cast %get3A_52 : vector<1x96x4096xbf16> to vector<96x4096xbf16>
    %get3A_54 = arith.index_cast %rem3A_1 : i32 to index
    %get3A_55 = arith.constant 0 : index
    %get3A_56 = arith.constant 513 : index
    %get3A_57 = vector.load %arg6[%get3A_54, %get3A_55, %get3A_56] : memref<2x96x4864xbf16, #tpu.memory_space<vmem>>, vector<1x96x4096xbf16>
    %get3A_58 = vector.shape_cast %get3A_57 : vector<1x96x4096xbf16> to vector<96x4096xbf16>
    %get3A_59 = arith.index_cast %rem3A_1 : i32 to index
    %get3A_60 = arith.constant 0 : index
    %get3A_61 = arith.constant 514 : index
    %get3A_62 = vector.load %arg6[%get3A_59, %get3A_60, %get3A_61] : memref<2x96x4864xbf16, #tpu.memory_space<vmem>>, vector<1x96x4096xbf16>
    %get3A_63 = vector.shape_cast %get3A_62 : vector<1x96x4096xbf16> to vector<96x4096xbf16>
    %concatenate3A = tpu.concatenate %get3A_23, %get3A_28, %get3A_33, %get3A_38, %get3A_43, %get3A_48, %get3A_53, %get3A_58, %get3A_63 in 0 : vector<96x4096xbf16>, vector<96x4096xbf16>, vector<96x4096xbf16>, vector<96x4096xbf16>, vector<96x4096xbf16>, vector<96x4096xbf16>, vector<96x4096xbf16>, vector<96x4096xbf16>, vector<96x4096xbf16> -> vector<864x4096xbf16>
    %get3A_64 = arith.constant 0 : index
    %get3A_65 = arith.constant 0 : index
    %get3A_66 = vector.load %arg3[%get3A_64, %get3A_65] : memref<96x864xbf16, #tpu.memory_space<vmem>>, vector<96x864xbf16>
    %dot_general3A = arith.constant dense<0.000000e+00> : vector<96x4096xf32>
    %dot_general3A_67 = tpu.matmul %get3A_66, %concatenate3A, %dot_general3A {dimension_numbers = #tpu.dot_dimension_numbers<[1], [0], [0], [1], [0, 0, 1, 1], [], []>, transpose_lhs_hint = false} : vector<96x864xbf16>, vector<864x4096xbf16>, vector<96x4096xf32> -> vector<96x4096xf32>
    %get3A_68 = arith.constant 0 : index
    %get3A_69 = arith.constant 0 : index
    %get3A_70 = vector.load %arg4[%get3A_68, %get3A_69] : memref<96x1xf32, #tpu.memory_space<vmem>>, vector<96x1xf32>
    %add3A_71 = vector.broadcast %get3A_70 : vector<96x1xf32> to vector<96x4096xf32>
    %add3A_72 = arith.addf %dot_general3A_67, %add3A_71 : vector<96x4096xf32>
    %swap3A = arith.constant 0 : index
    %swap3A_73 = arith.constant 0 : index
    %swap3A_74 = arith.constant 0 : index
    %swap3A_75 = vector.load %arg5[%swap3A, %swap3A_73, %swap3A_74] : memref<1x96x4096xf32, #tpu.memory_space<vmem>>, vector<1x96x4096xf32>
    %swap3A_76 = vector.shape_cast %swap3A_75 : vector<1x96x4096xf32> to vector<96x4096xf32>
    %swap3A_77 = vector.shape_cast %add3A_72 : vector<96x4096xf32> to vector<1x96x4096xf32>
    tpu.vector_store %arg5[%swap3A, %swap3A_73, %swap3A_74], %swap3A_77 {strides = array<i32>} : memref<1x96x4096xf32, #tpu.memory_space<vmem>>, vector<1x96x4096xf32>,
    return
  }
  func.func @transform_1(%arg0: i32, %arg1: i32) -> (i32, i32) {
    %c0_i32 = arith.constant 0 : i32
    %c0_i32_0 = arith.constant 0 : i32
    %c0_i32_1 = arith.constant 0 : i32
    return %c0_i32, %c0_i32_0 : i32, i32
  }
  func.func @transform_2(%arg0: i32, %arg1: i32) -> (i32, i32) {
    %c0_i32 = arith.constant 0 : i32
    %c0_i32_0 = arith.constant 0 : i32
    %c0_i32_1 = arith.constant 0 : i32
    return %c0_i32, %c0_i32_0 : i32, i32
  }
  func.func @transform_3(%arg0: i32, %arg1: i32) -> (i32, i32, i32) {
    %c0_i32 = arith.constant 0 : i32
    %c0_i32_0 = arith.constant 0 : i32
    return %arg0, %c0_i32, %arg1 : i32, i32, i32
  }
}

</mosaic_0001>

<sc_bundles>
// kernel: sparse-core-data-format-call.cloned.1.call-start
scs
called_computation_lowered:
.L_overlay_start_0:
0x0: {  	s2 =	sld [smem:$0x3FD9]  }
0x1: {  	s3 =	sld [smem:$0x3FFE];
	_ =	sdelay $0x1  }
0x2: {  	s1 =	srdreg.scid  }
0x3: {  	s0 =	sand.u32 $0x1, s1  }
0x4: {  	s18 =	sshll.u32 s0, $0xA;
	s2 =	sadd.s32 s3, s2  }
0x5: {  	s2 =	sadd.s32 s2, s18  }
0x6: {  	[smem:$0x3FC3] =	sst s2  }
0x7: {  	_ = 	snop  }
0x8: {  	s2 =	sld [smem:$0x3FD0];
	(tm) =	ssettm $0x1  }
0x9: {  	s19 =	sld [smem:$0x3FFB];
	_ =	sdelay $0x3  }
0xa: {  	_ =	strace s19  }
0xb: {  	s3 =	sld [smem:$0x3FFC];
	_ =	sdelay $0x3  }
0xc: {  	_ =	strace s3  }
0xd: {  	s3 =	sld [smem:$0x3FFD];
	_ =	sdelay $0x3  }
0xe: {  	_ =	strace s3  }
0xf: {  	_ =	strace $0x8FFFFFFF  }
0x10: {  	s20 =	sld [smem:$0x3FDB];
	_ =	sdelay $0x1  }
0x11: {  	s4 =	simm.s32 $_scs_section_size  }
0x12: {  	s5 =	simm.s32 $_size__tile_overlayer_lowered;
	s6 =	simm.s32 $_tile_overlayer_lowered  }
0x13: {  	s23 =	simm.s32 $0x1BFF;
	s22 =	sshll.u32 s6, $0x1;
	s3 =	sadd.s32 s4, s20  }
0x14: {  	s7 =	simm.s32 $0x0;
	s21 =	sshll.u32 s5, $0x1;
	s5 =	sadd.s32 s22, s3  }
0x15: {  	[timem:s7], [sflag:s23] =	dma.local [hbm:s5], s21  }
0x16: {  	_ =	swait.ge [sflag:s23], s21  }
0x17: {  	s4 =	ssub.s32 $0x0, s21;
	[sflag:s23] =	ssyncset.done $0x0  }
0x18: {  	[sflag:s23] =	ssyncadd.s32 s4;
	_ =	sdelay $0x1  }
0x19: {  	s24 =	simm.s32 $0x1B8B  }
0x1a: {  	_ =	swait.ge [sflag:s24], $0x1  }
0x1b: {  	[sflag:s24] =	ssyncset.done $0x0  }
0x1c: {  	s26 =	simm.s32 $0x1B8E;
	s25 =	sld [smem:$0x3FFE];
	[sflag:s24] =	ssyncadd.s32 $0xFFFFFFFF  }
0x1d: {  	s27 =	simm.s32 $execute0_lowered;
	[smem:$0x3FD2] =	sst s26  }
0x1e: {  	s5 =	sshll.u32 s27, $0x1;
	_ =	strace $0x80000046;
	[dreg:$0x1] =	wrdreg $0xFFFFFFFF  }
0x1f: {  	s28 =	simm.s32 $_size_execute0_lowered;
	s3 =	sadd.s32 s3, s5;
	[dreg:$0x0] =	wrdreg $0x0  }
0x20: {  	s5 =	sshll.u32 s28, $0x1;
	[dreg:$0x2] =	wrdreg s3  }
0x21: {  	[dreg:$0x3] =	wrdreg s5  }
0x22: {  	[dreg:$0x4] =	wrdreg $0xC0  }
0x23: {  	_ =	task [dreg:s7], $0x5FFFF  }
0x24: {  	[dreg:$0x1] =	wrdreg $0xFFFFFFFF  }
0x25: {  	[dreg:$0x0] =	wrdreg $0x60  }
0x26: {  	[dreg:$0x2] =	wrdreg s25  }
0x27: {  	[dreg:$0x3] =	wrdreg s2  }
0x28: {  	[dreg:$0x4] =	wrdreg $0x9  }
0x29: {  	_ =	task.clear_ibuf [dreg:s7], $0x5FFFF;
	_ =	strace $0x90000046  }
0x2a: {  	s29 =	simm.s32 $0x9;
	_ =	strace $0x80000048  }
0x2b: {  	_ =	swait.ge [sflag:s29], $0x1  }
0x2c: {  	[sflag:s29] =	ssyncadd.s32 $0xFFFFFFFF  }
0x2d: {  	_ =	strace $0x90000048  }
0x2e: {  	_ =	sfence  }
0x2f: {  	s30 =	sld [smem:$0x0];
	_ =	sdelay $0x2  }
0x30: {  	s31 =	sshll.u32 s1, $0xD;
	s1 =	sshrl.u32 s1, $0x2  }
0x31: {  	s3 =	sand.u32 $0x4000, s31;
	s1 =	sadd.s32 s1, s30  }
0x32: {  	s0 =	sor.u32 s3, s0;
	s1 =	sshll.u32 s1, $0x11  }
0x33: {  	s0 =	sor.u32 s1, s0  }
0x34: {  	s0 =	sadd.s32 $0x8F2B, s0  }
0x35: {  	[sflag:s0] =	ssyncadd.remote.s32 $0x1  }
0x36: {  	_ =	sfence.sel $0xFFFF  }
0x37: {  	[dreg:$0x0] =	wrdreg $0xFFFFFFFF;
	(pc) =	sbr.abs _section_cstart, $3  }
0x38: {  	[dreg:$0x1] =	wrdreg $0xFFFFFFFF  }
0x39: {  	_ =	task.clear_ibuf [dreg:s7], $0x2FFFF;
	_ =	strace $0x9FFFFFFF  }
0x3a: {  	(tm) =	ssettm $0x7FFFFFFF  }
0x3b: {  	_ =	shalt  }
tec
execute0_lowered:
.L_overlay_start_1:
0x0: {  	(tag) =	ssettag $0x1  }
0x1: {  	s0 =	srdreg.scid;
	s6 =	rddreg [dreg:$0x0]  }
0x2: {  	s3 =	rddreg [dreg:$0x1];
	s1 =	sshll.u32 s0, $0x4  }
0x3: {  	s4 =	simm.s32 $0x1;
	s0 =	stileid.u32;
	s1 =	sand.u32 $0x10, s1  }
0x4: {  	s31 =	simm.s32 $0x2;
	s12 =	simm.s32 $0x0;
	s5 =	sor.u32 s0, s1  }
0x5: {  	s9 =	simm.s32 $0xE000;
	s13 =	simm.s32 $0x0;
	s2 =	sshll.u32 s5, $0x3  }
0x6: {  	s10 =	simm.s32 $0x0;
	s11 =	simm.s32 $0x0;
	s7 =	ssub.s32 $0xE0, s2  }
0x7: {  	s19 =	simm.s32 $0x0;
	s1 =	rddreg [dreg:$0x2];
	p0 =	sgt.s32 s7, $0x0  }
.Ltmp0:
0x8: {  	_ =	strace $0x80000047;
	s7 =	simm.s32 @!p0 $0x0;
	(pc) =	sbr.rel .LBB1_1-.Ltmp0, $4  }
0x9: {  	s8 =	sshll.u32 s5, $0xB;
	[sflag:s4] =	ssyncpa.u1 $0x0;
	s30 =	sand.u32 $0xF8, s7  }
0xa: {  	s5 =	simm.s32 $0x0;
	s6 =	sadd.s32 s8, s6;
	p0 =	seq.s32 s30, $0x0  }
0xb: {  	[sflag:s31] =	ssyncpa.u1 $0x0;
	s8 =	simm.s32 $0x800;
	s5 =	simm.s32 @!p0 $0x18  }
0xc: {  	s6 =	sadd.s32 $0x1600, s6;
	p0 =	por $0x0, $0x0;
	s7 =	sor.u32 $0x1, s5  }
.LBB1_7:
0xd: {  	s14 =	sadd.s32 $0x1, s10  }
0xe: {  	p2 =	sgt.s32 s14, $0x17  }
0xf: {  	s14 =	simm.s32 @p2 $0x0;
	p2 =	sne.s32 s11, s7  }
.Ltmp1:
0x10: {  	p1 =	slt.u32 s11, $0x2;
	(pc) =	sbr.rel @!p2 .LBB1_8-.Ltmp1, $4  }
0x11: {  	s12 =	simm.s32 @!p1 $0x2  }
0x12: {  	s15 =	sadd.s32 $0x1, s11;
	s13 =	smov.u32 s10;
	_ =	swait.ge @!p1 [sflag:s12], $0x4000  }
0x13: {  	p0 =	por !p0, !p0;
	s11 =	smov.u32 s15;
	[sflag:s12] =	ssyncset.done @!p1 $0x0  }
0x14: {  	s10 =	smov.u32 s14;
	[sflag:s12] =	ssyncadd.s32 @!p1 $0xFFFFC000;
	s12 =	smov.u32 s2  }
.LBB1_1:
0x15: {  	p1 =	sge.u32 s11, s5  }
0x16: {  	s14 =	sxor.u32 @!p1 $0xFFFFFFFF, s11;
	s15 =	smul.u32 @!p1 $0xE000, s10  }
0x17: {  	s31 =	sadd.s32 $0xFFFFFFFF, s11;
	s14 =	sshll.u32 @!p1 s14, $0xE  }
0x18: {  	s16 =	simm.s32 @!p1 $0x0;
	s14 =	sand.u32 @!p1 $0x4000, s14;
	s15 =	sadd.s32 @!p1 s15, s6  }
0x19: {  	[tilespmem:s14], [sflag:$0x1] =	stream.linear.gather @!p1 [hbm4b:s15+s16], $0x4000, $0x38;
	[tilespmem:$0x10000] =	vst v63  }
0x1a: {  	p1 =	sge.u32 s31, s5  }
.Ltmp2:
0x1b: {  	_ = 	snop;
	(pc) =	sbr.rel @p1 .LBB1_7-.Ltmp2, $1  }
0x1c: {  	_ =	sdelay $0x3  }
0x1d: {  	s14 =	simm.s32 $0x1  }
0x1e: {  	_ =	swait.ge [sflag:s4], $0x4000;
	s31 =	sshll.u32 s11, $0xE;
	p1 =	por $0x0, $0x0  }
0x1f: {  	s20 =	simm.s32 $0x0;
	s21 =	simm.s32 $0x0;
	s14 =	simm.s32 @!p0 $0x0  }
0x20: {  	[sflag:s4] =	ssyncset.done $0x0;
	s17 =	sand.u32 $0x4000, s31;
	s14 =	sshll.u32 s14, $0x10  }
0x21: {  	[sflag:s4] =	ssyncadd.s32 $0xFFFFC000;
	s18 =	sshrl.u32 s14, $0x2;
	s14 =	sor.u32 $0x8000, s17  }
0x22: {  	s15 =	sor.u32 $0x40, s18;
	s16 =	sor.u32 $0x8410, s18;
	s18 =	sadd.s32 $0x8400, s18  }
.LBB1_3:
0x23: {  	v1 =	vld [tilespmem:s15+$0xFFFFFFD0]  }
0x24: {  	v2 =	vld [tilespmem:s15+$0x430]  }
0x25: {  	s22 =	sshll.u32 s21, $0xB;
	v4 =	vld [tilespmem:s15+$0xFFFFFFE0]  }
0x26: {  	v7 =	vld [tilespmem:s15+$0xFFFFFFF0];
	v0 =	vmov s22  }
0x27: {  	v8 =	vld [tilespmem:s15+$0x0]  }
0x28: {  	s30 =	sand.u32 $0x300, s19;
	v9 =	vld [tilespmem:s15+$0x10]  }
0x29: {  	s23 =	sand.u32 $0x80, s19;
	v10 =	vld [tilespmem:s15+$0x20];
	s22 =	sadd.s32 s30, s17  }
0x2a: {  	v11 =	vld [tilespmem:s15+$0x30];
	s22 =	sadd.s32 s23, s22;
	s23 =	simm.s32 $0x1;
	[tilespmem:s16+$0x60] =	vst v2  }
0x2b: {  	s31 =	sshll.u32 s20, $0x2;
	s23 =	simm.s32 @!p1 $0x0;
	[tilespmem:s16+$0xFFFFFC00] =	vst v1;
	v3 =	vld.idx.msk [tilespmem:v0+s22+$0x400 ss:$0x1], $0xffff  }
0x2c: {  	v6 =	vld [tilespmem:s15+$0x3D0];
	s23 =	sshll.u32 s23, $0x9;
	[tilespmem:s16+$0xFFFFFC10] =	vst v4;
	s22 =	sand.u32 $0xFFFFFC00, s31  }
0x2d: {  	v5 =	vld [tilespmem:s15+$0x3E0];
	[tilespmem:s16+$0xFFFFFC20] =	vst v7;
	s22 =	sor.u32 s23, s22  }
0x2e: {  	[tilespmem:s16+$0xFFFFFC30] =	vst v8;
	v4 =	vld [tilespmem:s15+$0x400];
	s22 =	sshrl.u32 s22, $0x2  }
0x2f: {  	[tilespmem:s16+$0xFFFFFC40] =	vst v9;
	v1 =	vld [tilespmem:s15+$0x410];
	s22 =	sadd.s32 s22, s18  }
0x30: {  	[tilespmem:s22+$0x0] =	vst v3;
	v3 =	vld [tilespmem:s15+$0x3F0]  }
0x31: {  	s26 =	simm.s32 $0x80;
	s25 =	simm.s32 $0x100;
	[tilespmem:s16+$0xFFFFFC50] =	vst v10;
	v2 =	vld [tilespmem:s15+$0x420]  }
0x32: {  	s24 =	smov.u32 s16;
	s27 =	sand.u32 $0x300, s26;
	v7 =	vld [tilespmem:s15+$0xFFFFFFC0];
	[tilespmem:s16+$0xFFFFFC60] =	vst v11;
	s23 =	sadd.s32 $0x80, s15  }
.LBB1_4:
0x33: {  	p2 =	sne.s32 s25, $0x380;
	v8 =	vld [tilespmem:s23+$0xFFFFFFD0];
	s26 =	sand.u32 $0x80, s26;
	s27 =	sadd.s32 s27, s17;
	[tilespmem:s24+$0x0] =	vst v6  }
0x34: {  	s27 =	sadd.s32 s26, s27;
	v6 =	vld [tilespmem:s23+$0x430];
	[tilespmem:s24+$0x10] =	vst v5;
	s26 =	smov.u32 s25  }
0x35: {  	v5 =	vld.idx.msk [tilespmem:v0+s27+$0x400 ss:$0x1], $0xffff;
	[tilespmem:s24+$0x20] =	vst v3  }
0x36: {  	v3 =	vld [tilespmem:s23+$0xFFFFFFE0];
	[tilespmem:s24+$0x30] =	vst v4  }
0x37: {  	v4 =	vld [tilespmem:s23+$0xFFFFFFF0];
	[tilespmem:s24+$0xFFFFFBF0] =	vst v7  }
0x38: {  	v7 =	vld [tilespmem:s23+$0x0];
	[tilespmem:s24+$0x40] =	vst v1  }
0x39: {  	v1 =	vld [tilespmem:s23+$0x10];
	[tilespmem:s24+$0x50] =	vst v2;
	s24 =	sadd.s32 $0x800, s24  }
0x3a: {  	s22 =	sadd.s32 $0x800, s22;
	v2 =	vld [tilespmem:s23+$0x20];
	[tilespmem:s24+$0x60] =	vst v6  }
0x3b: {  	v9 =	vld [tilespmem:s23+$0x30];
	[tilespmem:s22+$0x0] =	vst v5  }
0x3c: {  	[tilespmem:s24+$0xFFFFFC00] =	vst v8;
	v6 =	vld [tilespmem:s23+$0x3D0]  }
0x3d: {  	[tilespmem:s24+$0xFFFFFC10] =	vst v3;
	v5 =	vld [tilespmem:s23+$0x3E0]  }
.Ltmp3:
0x3e: {  	[tilespmem:s24+$0xFFFFFC20] =	vst v4;
	v3 =	vld [tilespmem:s23+$0x3F0];
	(pc) =	sbr.rel @p2 .LBB1_4-.Ltmp3, $4  }
0x3f: {  	[tilespmem:s24+$0xFFFFFC30] =	vst v7;
	v4 =	vld [tilespmem:s23+$0x400]  }
0x40: {  	[tilespmem:s24+$0xFFFFFC40] =	vst v1;
	v1 =	vld [tilespmem:s23+$0x410]  }
0x41: {  	[tilespmem:s24+$0xFFFFFC50] =	vst v2;
	v2 =	vld [tilespmem:s23+$0x420]  }
0x42: {  	s25 =	sadd.s32 $0x80, s25;
	s27 =	sand.u32 $0x300, s26;
	v7 =	vld [tilespmem:s23+$0xFFFFFFC0];
	[tilespmem:s24+$0xFFFFFC60] =	vst v9;
	s23 =	sadd.s32 $0x80, s23  }
0x43: {  	[tilespmem:s24+$0x0] =	vst v6  }
0x44: {  	[tilespmem:s24+$0x10] =	vst v5  }
0x45: {  	v49 =	vld [tilespmem:s23+$0x430];
	[tilespmem:s24+$0x20] =	vst v3  }
0x46: {  	v50 =	vld [tilespmem:s23+$0xFFFFFFD0];
	[tilespmem:s24+$0x30] =	vst v4  }
0x47: {  	v51 =	vld [tilespmem:s23+$0xFFFFFFE0];
	[tilespmem:s24+$0x40] =	vst v1  }
0x48: {  	v52 =	vld [tilespmem:s23+$0xFFFFFFF0];
	[tilespmem:s24+$0x50] =	vst v2  }
0x49: {  	s31 =	sadd.s32 $0x800, s24;
	v53 =	vld [tilespmem:s23+$0x0];
	[tilespmem:s24+$0xFFFFFBF0] =	vst v7  }
0x4a: {  	v54 =	vld [tilespmem:s23+$0x10];
	[tilespmem:s31+$0x60] =	vst v49  }
0x4b: {  	v55 =	vld [tilespmem:s23+$0x20];
	[tilespmem:s31+$0xFFFFFC00] =	vst v50  }
0x4c: {  	v56 =	vld [tilespmem:s23+$0x30];
	[tilespmem:s31+$0xFFFFFC10] =	vst v51  }
0x4d: {  	v57 =	vld [tilespmem:s23+$0x3D0];
	[tilespmem:s31+$0xFFFFFC20] =	vst v52  }
0x4e: {  	v58 =	vld [tilespmem:s23+$0x3E0];
	[tilespmem:s31+$0xFFFFFC30] =	vst v53  }
0x4f: {  	v59 =	vld [tilespmem:s23+$0x3F0];
	[tilespmem:s31+$0xFFFFFC40] =	vst v54  }
0x50: {  	v60 =	vld [tilespmem:s23+$0x400];
	[tilespmem:s31+$0xFFFFFC50] =	vst v55  }
0x51: {  	v61 =	vld [tilespmem:s23+$0xFFFFFFC0];
	[tilespmem:s31+$0xFFFFFC60] =	vst v56  }
0x52: {  	s25 =	sand.u32 $0x80, s26;
	s30 =	sadd.s32 s27, s17;
	v62 =	vld [tilespmem:s23+$0x410];
	[tilespmem:s31+$0x0] =	vst v57  }
0x53: {  	v63 =	vld [tilespmem:s23+$0x420];
	s21 =	sadd.s32 $0x1, s21;
	s25 =	sadd.s32 s25, s30;
	[tilespmem:s31+$0x10] =	vst v58  }
0x54: {  	p2 =	sne.s32 s21, $0x8;
	v0 =	vld.idx.msk [tilespmem:v0+s25+$0x400 ss:$0x1], $0xffff;
	[tilespmem:s31+$0x20] =	vst v59  }
.Ltmp4:
0x55: {  	[tilespmem:s31+$0x30] =	vst v60;
	(pc) =	sbr.rel @p2 .LBB1_3-.Ltmp4, $4  }
0x56: {  	[tilespmem:s31+$0xFFFFFBF0] =	vst v61  }
0x57: {  	[tilespmem:s31+$0x40] =	vst v62  }
0x58: {  	s22 =	sadd.s32 $0x800, s22;
	s15 =	sadd.s32 $0x800, s15;
	[tilespmem:s31+$0x50] =	vst v63  }
0x59: {  	s20 =	sadd.s32 $0x80, s20;
	p1 =	por !p1, !p1;
	s16 =	sadd.s32 $0x80, s16;
	[tilespmem:s22+$0x0] =	vst v0  }
0x5a: {  	s15 =	sshrl.u32 s12, $0x5  }
0x5b: {  	s15 =	smulhi.u32 $0x24924925, s15  }
0x5c: {  	s13 =	smul.u32 $0xE000, s13  }
0x5d: {  	s15 =	smul.u32 $0xE0, s15  }
.Ltmp5:
0x5e: {  	_ = 	snop;
	(pc) =	sbr.rel .LBB1_7-.Ltmp5, $4  }
0x5f: {  	s31 =	ssub.s32 s12, s15  }
0x60: {  	s13 =	sadd.s32 s3, s13;
	s12 =	sshll.u32 s31, $0x5  }
0x61: {  	s12 =	sadd.s32 s12, s13  }
0x62: {  	[hbm4b:s12+s8] =	stream.strided.scatter [tilespmem:s14], [sflag:$0x2], $0x4000, s9, s8, $0x38;
	[tilespmem:$0x10000] =	vst v63  }
.LBB1_8:
0x63: {  	_ =	sfence.sel $0x180000  }
0x64: {  	s2 =	simm.s32 $0x1;
	[bflag:$0x0] =	sbarrier.arrive $0xFFFF  }
0x65: {  	s31 =	simm.s32 $0x2;
	[sflag:s2] =	ssyncpa.u1 $0x1  }
0x66: {  	[sflag:s31] =	ssyncpa.u1 $0x1  }
0x67: {  	p0 =	sne.s32 s0, $0x0;
	_ =	strace $0x90000047  }
0x68: {  	s0 =	sadd.s32 @!p0 $0x100000, s1;
	[bflag:$0x2] =	sbarrier.arrive $0xFFFF  }
0x69: {  	[sflag:s0] =	ssyncadd.tile.s32 @!p0 $0x1;
	_ =	shalt  }
.Lfunc_end1:
_tile_overlayer_lowered:
.L_overlay_start_2:
0x6a: {  	(tag) =	ssettag $0x2  }
0x6b: {  	s0 =	rddreg [dreg:$0x0];
	s2 =	stileid.u32  }
0x6c: {  	s1 =	rddreg [dreg:$0x1];
	p0 =	sne.s32 s2, $0x0  }
0x6d: {  	s3 =	rddreg [dreg:$0x2];
	[bflag:$0x3] =	sbarrier.arrive $0xFFFF;
	s2 =	simm.s32 @!p0 $0x1C01  }
0x6e: {  	[timem:s3], [sflag:s2] =	dma.local @!p0 [hbm:s0], s1  }
0x6f: {  	s0 =	simm.s32 @!p0 $0x1  }
0x70: {  	_ =	swait.ge @!p0 [sflag:s0], s1  }
0x71: {  	s1 =	ssub.s32 @!p0 $0x0, s1;
	[sflag:s0] =	ssyncset.done @!p0 $0x0  }
0x72: {  	[sflag:s0] =	ssyncadd.s32 @!p0 s1  }
0x73: {  	[bflag:$0x3] =	sbarrier.arrive $0xFFFF  }
0x74: {  	_ =	shalt  }

</sc_bundles>
